<compile_context>
chip_gen: v7x
topology: tpu7x:2x2x1
jax: 0.10.2.dev20260603
libtpu: 0.0.44.dev20260713+nightly
codegen_flags: <defaults>
</compile_context>

<pallas_src>
import functools

import jax
import jax.numpy as jnp
from jax import lax
from jax.experimental import pallas as pl
from jax.experimental.pallas import tpu as pltpu
from jax.experimental.pallas import tpu_sc as plsc

CAP = 1000000
B = 131072
NCOL = 46
NPAD = 128

NC = 2
NS = 16
RANGE_BITS = 15
RANGE = 1 << RANGE_BITS
ACTIVE_W = (CAP + RANGE - 1) // RANGE
OUT_ROWS = CAP + 2000

IDX_CHUNK = 16384
FLUSH_T = 112
FLUSH_CAP = 128

_WIDTHS = (3, 4, 3, 1, 3, 32)


def _copy_body(m_ref, q_ref, s_ref, o_ref, c_ref, l_ref, out_ref):
    tile = m_ref.shape[1]
    cat = jnp.concatenate(
        [m_ref[...], q_ref[...], s_ref[...], o_ref[...], c_ref[...],
         l_ref[...], jnp.zeros((NPAD - NCOL, tile), jnp.float32)], axis=0)
    out_ref[...] = cat.T


def _concat_copy(m, q, s, o, c, l, rows, tile):
    grid = -(-rows // tile)
    in_specs = [pl.BlockSpec((w, tile), lambda i: (i * 0, i))
                for w in _WIDTHS]
    out_rows = OUT_ROWS if rows == CAP else rows
    return pl.pallas_call(
        _copy_body,
        out_shape=jax.ShapeDtypeStruct((out_rows, NPAD), jnp.float32),
        grid=(grid,),
        in_specs=in_specs,
        out_specs=pl.BlockSpec((tile, NPAD), lambda i: (i, i * 0)),
    )(m.T, q.T, s.T, o.T, c.T, l.T)


def _fori(n, body):
    def wrapped(i, carry):
        body(i)
        return carry
    lax.fori_loop(jnp.int32(0), jnp.int32(n), wrapped, jnp.int32(0))


def _sc_scatter_body(idx_hbm, p_hbm, out_hbm,
                     w_ref, stage_ref, wini_ref, wind_ref, pay_ref,
                     sem, sem2):
    wid = lax.axis_index("s") * NC + lax.axis_index("c")

    @pl.when(wid < ACTIVE_W)
    def _():
        base = wid * RANGE
        lanes = lax.iota(jnp.int32, 16)
        widv = jnp.full((16,), wid, dtype=jnp.int32)

        dump = CAP + wid

        def init_w(i):
            w_ref[pl.ds(i * 16, 16)] = jnp.zeros((16,), jnp.int32)
        _fori(RANGE // 16, init_w)

        def init_f(i):
            wini_ref[pl.ds(i * 16, 16)] = jnp.zeros((16,), jnp.int32)
            wind_ref[pl.ds(i * 16, 16)] = jnp.full((16,), dump, jnp.int32)
        _fori(FLUSH_CAP // 16, init_f)

        nchunks = B // IDX_CHUNK

        for cj in range(nchunks):
            def do_chunk(chunk=cj):
                pltpu.sync_copy(idx_hbm.at[pl.ds(chunk * IDX_CHUNK,
                                                 IDX_CHUNK)], stage_ref)
                cbase = chunk * IDX_CHUNK + 1

                def scan_pass(_):
                    def group(g, sticky):
                        idxv = stage_ref[pl.ds(g * 16, 16)]
                        mask = (idxv >> RANGE_BITS) == widv
                        d = idxv & (RANGE - 1)
                        iv = cbase + g * 16 + lanes
                        cur = plsc.load_gather(w_ref, [d], mask=mask)
                        pending = mask & (iv > cur)
                        plsc.store_scatter(w_ref, [d], iv, mask=pending)
                        c2 = plsc.load_gather(w_ref, [d], mask=pending)
                        return sticky | (pending & (iv > c2))

                    sticky = lax.fori_loop(
                        jnp.int32(0), jnp.int32(IDX_CHUNK // 16), group,
                        jnp.zeros((16,), bool))
                    return plsc.all_reduce_population_count(sticky)[0]

                lax.while_loop(lambda c: c > 0, scan_pass, jnp.int32(1))
            do_chunk()

        def flush():
            pltpu.async_copy(p_hbm.at[wini_ref], pay_ref, sem).wait()
            pltpu.async_copy(pay_ref, out_hbm.at[wind_ref], sem2).wait()

        def group2(g, n):
            wv = w_ref[pl.ds(g * 16, 16)]
            m = wv > 0
            cnt = plsc.all_reduce_population_count(m)[0]
            plsc.store_compressed(wini_ref.at[pl.ds(n, 16)], wv - 1, mask=m)
            dest = base + g * 16 + lanes
            plsc.store_compressed(wind_ref.at[pl.ds(n, 16)], dest, mask=m)
            n = n + cnt

            def do_flush(nn):
                flush()
                return jnp.zeros_like(nn)

            return lax.cond(n >= FLUSH_T, do_flush, lambda nn: nn, n)

        lax.fori_loop(jnp.int32(0), jnp.int32(RANGE // 16), group2,
                      jnp.int32(0))
        flush()


@functools.cache
def _make_sc_scatter():
    return pl.kernel(
        _sc_scatter_body,
        out_type=(),
        mesh=plsc.VectorSubcoreMesh(core_axis_name="c",
                                    subcore_axis_name="s",
                                    num_cores=NC, num_subcores=NS),
        compiler_params=pltpu.CompilerParams(use_tc_tiling_on_sc=False,
                                             needs_layout_passes=False),
        scratch_types=[
            pltpu.VMEM((RANGE,), jnp.int32),
            pltpu.VMEM((IDX_CHUNK,), jnp.int32),
            pltpu.VMEM((FLUSH_CAP,), jnp.int32),
            pltpu.VMEM((FLUSH_CAP,), jnp.int32),
            pltpu.VMEM((FLUSH_CAP, NPAD), jnp.float32),
            pltpu.SemaphoreType.DMA,
            pltpu.SemaphoreType.DMA,
        ],
    )


def kernel(means3d_store, quat_store, log_scale_store, opacity_store,
           rgb_store, latent_store, new_means, new_quat, new_log_scale,
           new_opacity, new_rgb, new_latent, idx):
    idx32 = idx.astype(jnp.int32)
    out0 = _concat_copy(means3d_store, quat_store, log_scale_store,
                        opacity_store, rgb_store, latent_store,
                        rows=CAP, tile=8192)
    payload = _concat_copy(new_means, new_quat, new_log_scale, new_opacity,
                           new_rgb, new_latent, rows=B, tile=8192)
    out_ref = jax.new_ref(out0)
    _make_sc_scatter()(idx32, payload, out_ref)
    return jax.freeze(out_ref)[:CAP, :NCOL]

# --- scband reference (transcript-rebuilt; emitter-appended) ---
"""Pipeline reference for scband-canonical-gaussian-field-68221260529787 (READ-ONLY COPY).

The authoritative reference and input builder live on the scoring server;
editing this copy changes nothing except your own understanding.
"""

import jax, jax.numpy as jnp
import numpy as np
jax.config.update('jax_enable_x64', True)

CAP = 1000000
B = 131072
F = 32

def setup_inputs(seed: int = 0) -> dict:
    key = jax.random.key(seed)
    ks = jax.random.split(key, 13)
    return {
        'means3d_store': jax.random.normal(ks[0], (CAP, 3), dtype=jnp.float32),
        'quat_store': jax.random.normal(ks[1], (CAP, 4), dtype=jnp.float32),
        'log_scale_store': jax.random.normal(ks[2], (CAP, 3), dtype=jnp.float32),
        'opacity_store': jax.random.normal(ks[3], (CAP, 1), dtype=jnp.float32),
        'rgb_store': jax.random.normal(ks[4], (CAP, 3), dtype=jnp.float32),
        'latent_store': jnp.zeros((CAP, F), dtype=jnp.float32),
        'new_means': jax.random.normal(ks[5], (B, 3), dtype=jnp.float32),
        'new_quat': jax.random.normal(ks[6], (B, 4), dtype=jnp.float32),
        'new_log_scale': jax.random.normal(ks[7], (B, 3), dtype=jnp.float32),
        'new_opacity': jax.random.normal(ks[8], (B, 1), dtype=jnp.float32),
        'new_rgb': jax.random.normal(ks[9], (B, 3), dtype=jnp.float32),
        'new_latent': jax.random.normal(ks[10], (B, F), dtype=jnp.float32),
        'idx': jax.random.randint(ks[11], (B,), 0, CAP, dtype=jnp.int64),
    }

def reference(means3d_store, quat_store, log_scale_store, opacity_store, rgb_store,
              latent_store, new_means, new_quat, new_log_scale, new_opacity,
              new_rgb, new_latent, idx):
    # Faithful translation of CanonicalGaussianField row-append/write into fixed
    # capacity storage: scatter-overwrite each per-gaussian storage field at the
    # destination row indices (append_rows_in_place writes detached new rows into
    # the backing tensors returned by _storage_rows()).
    m = means3d_store.at[idx].set(new_means)
    q = quat_store.at[idx].set(new_quat)
    s = log_scale_store.at[idx].set(new_log_scale)
    o = opacity_store.at[idx].set(new_opacity)
    c = rgb_store.at[idx].set(new_rgb)
    l = latent_store.at[idx].set(new_latent)
    # Return the full updated storage as one contiguous view [CAP, 3+4+3+1+3+F]
    return jnp.concatenate([m, q, s, o, c, l], axis=-1)

if __name__ == "__main__":
    import jax
    _d = setup_inputs()
    print(jax.jit(kernel)(*tuple(_d.values())))

</pallas_src>

<mosaic_0001>
#map = affine_map<(d0, d1) -> (0)>
#map1 = affine_map<(d0, d1) -> (0, 0)>
module attributes {stable_mosaic.version = 14 : i64} {
  func.func @new_body(%arg0: i32, %arg1: i32, %arg2: memref<131072xi32, #tpu.memory_space<hbm>>, %arg3: memref<131072x128xf32, #tpu.memory_space<hbm>>, %arg4: memref<1002000x128xf32, #tpu.memory_space<hbm>>, %arg5: memref<1002000x128xf32, #tpu.memory_space<hbm>>, %arg6: memref<32768xi32, #tpu.memory_space<vmem>>, %arg7: memref<16384xi32, #tpu.memory_space<vmem>>, %arg8: memref<128xi32, #tpu.memory_space<vmem>>, %arg9: memref<128xi32, #tpu.memory_space<vmem>>, %arg10: memref<128x128xf32, #tpu.memory_space<vmem>>, %arg11: memref<!tpu.dma_semaphore, #tpu.memory_space<semaphore_mem>>, %arg12: memref<!tpu.dma_semaphore, #tpu.memory_space<semaphore_mem>>) attributes {dimension_semantics = [#tpu.dimension_semantics<core_parallel>, #tpu.dimension_semantics<subcore_parallel>], iteration_bounds = array<i64: 2, 16>, scalar_prefetch = 0 : i64, scratch_operands = 7 : i64, tpu.core_type = #tpu.core_type<sc_vector_subcore>, window_params = [{transform_indices = #map}, {transform_indices = #map1}, {transform_indices = #map1}, {transform_indices = #map1}]} {
    %mul3A = arith.constant 2 : i32
    %mul3A_0 = arith.muli %arg1, %mul3A : i32
    %add3A = arith.addi %mul3A_0, %arg0 : i32
    %lt3A = arith.constant 31 : i32
    %lt3A_1 = arith.cmpi slt, %add3A, %lt3A : i32
    %convert_element_type3A = arith.extui %lt3A_1 : i1 to i32
    %cond3A = arith.constant 0 : i32
    %cond3A_2 = arith.cmpi ne, %convert_element_type3A, %cond3A : i32
    scf.if %cond3A_2 {
      %mul3A_3 = arith.constant 32768 : i32
      %mul3A_4 = arith.muli %add3A, %mul3A_3 : i32
      %iota3A = tpu.iota {dimensions = array<i32: 0>} : vector<16xi32>
      %broadcast_in_dim3A = vector.broadcast %add3A : i32 to vector<16xi32>
      %add3A_5 = arith.constant 1000000 : i32
      %add3A_6 = arith.addi %add3A_5, %add3A : i32
      %while3A = arith.constant 0 : i32
      %while3A_7 = arith.constant 0 : i32
      %while3A_8 = arith.constant 2048 : i32
      %while3A_9 = arith.subi %while3A_8, %while3A_7 : i32
      %while3A_10 = arith.addi %while3A_7, %while3A_9 : i32
      %while3A_11 = arith.constant 1 : i32
      %while3A_12 = arith.divsi %while3A_9, %while3A_11 : i32
      %while3A_13 = arith.muli %while3A_12, %while3A_11 : i32
      %while3A_14 = arith.addi %while3A_7, %while3A_13 : i32
      %while3A_15 = arith.constant 1 : i32
      scf.for %while3A_67 = %while3A_7 to %while3A_14 step %while3A_15  : i32 {
        %broadcast_in_dim3A_68 = arith.constant 0 : i32
        %broadcast_in_dim3A_69 = vector.broadcast %broadcast_in_dim3A_68 : i32 to vector<16xi32>
        %mul3A_70 = arith.constant 16 : i32
        %mul3A_71 = arith.muli %while3A_67, %mul3A_70 : i32
        %swap3A = arith.index_cast %mul3A_71 : i32 to index
        %swap3A_72 = tpu.vector_load %arg6[%swap3A] {strides = array<i32>} : memref<32768xi32, #tpu.memory_space<vmem>>, vector<16xi32>,
        tpu.vector_store %arg6[%swap3A], %broadcast_in_dim3A_69 {strides = array<i32>} : memref<32768xi32, #tpu.memory_space<vmem>>, vector<16xi32>,
      }
      %while3A_16 = arith.constant 1 : i32
      scf.for %while3A_67 = %while3A_14 to %while3A_10 step %while3A_16  : i32 {
        %broadcast_in_dim3A_68 = arith.constant 0 : i32
        %broadcast_in_dim3A_69 = vector.broadcast %broadcast_in_dim3A_68 : i32 to vector<16xi32>
        %mul3A_70 = arith.constant 16 : i32
        %mul3A_71 = arith.muli %while3A_67, %mul3A_70 : i32
        %swap3A = arith.index_cast %mul3A_71 : i32 to index
        %swap3A_72 = tpu.vector_load %arg6[%swap3A] {strides = array<i32>} : memref<32768xi32, #tpu.memory_space<vmem>>, vector<16xi32>,
        tpu.vector_store %arg6[%swap3A], %broadcast_in_dim3A_69 {strides = array<i32>} : memref<32768xi32, #tpu.memory_space<vmem>>, vector<16xi32>,
      }
      %while3A_17 = arith.constant 0 : i32
      %while3A_18 = arith.constant 0 : i32
      %while3A_19 = arith.constant 8 : i32
      %while3A_20 = arith.subi %while3A_19, %while3A_18 : i32
      %while3A_21 = arith.addi %while3A_18, %while3A_20 : i32
      %while3A_22 = arith.constant 1 : i32
      %while3A_23 = arith.divsi %while3A_20, %while3A_22 : i32
      %while3A_24 = arith.muli %while3A_23, %while3A_22 : i32
      %while3A_25 = arith.addi %while3A_18, %while3A_24 : i32
      %while3A_26 = arith.constant 1 : i32
      scf.for %while3A_67 = %while3A_18 to %while3A_25 step %while3A_26  : i32 {
        %broadcast_in_dim3A_68 = arith.constant 0 : i32
        %broadcast_in_dim3A_69 = vector.broadcast %broadcast_in_dim3A_68 : i32 to vector<16xi32>
        %mul3A_70 = arith.constant 16 : i32
        %mul3A_71 = arith.muli %while3A_67, %mul3A_70 : i32
        %swap3A = arith.index_cast %mul3A_71 : i32 to index
        %swap3A_72 = tpu.vector_load %arg8[%swap3A] {strides = array<i32>} : memref<128xi32, #tpu.memory_space<vmem>>, vector<16xi32>,
        tpu.vector_store %arg8[%swap3A], %broadcast_in_dim3A_69 {strides = array<i32>} : memref<128xi32, #tpu.memory_space<vmem>>, vector<16xi32>,
        %broadcast_in_dim3A_73 = vector.broadcast %add3A_6 : i32 to vector<16xi32>
        %mul3A_74 = arith.constant 16 : i32
        %mul3A_75 = arith.muli %while3A_67, %mul3A_74 : i32
        %swap3A_76 = arith.index_cast %mul3A_75 : i32 to index
        %swap3A_77 = tpu.vector_load %arg9[%swap3A_76] {strides = array<i32>} : memref<128xi32, #tpu.memory_space<vmem>>, vector<16xi32>,
        tpu.vector_store %arg9[%swap3A_76], %broadcast_in_dim3A_73 {strides = array<i32>} : memref<128xi32, #tpu.memory_space<vmem>>, vector<16xi32>,
      }
      %while3A_27 = arith.constant 1 : i32
      scf.for %while3A_67 = %while3A_25 to %while3A_21 step %while3A_27  : i32 {
        %broadcast_in_dim3A_68 = arith.constant 0 : i32
        %broadcast_in_dim3A_69 = vector.broadcast %broadcast_in_dim3A_68 : i32 to vector<16xi32>
        %mul3A_70 = arith.constant 16 : i32
        %mul3A_71 = arith.muli %while3A_67, %mul3A_70 : i32
        %swap3A = arith.index_cast %mul3A_71 : i32 to index
        %swap3A_72 = tpu.vector_load %arg8[%swap3A] {strides = array<i32>} : memref<128xi32, #tpu.memory_space<vmem>>, vector<16xi32>,
        tpu.vector_store %arg8[%swap3A], %broadcast_in_dim3A_69 {strides = array<i32>} : memref<128xi32, #tpu.memory_space<vmem>>, vector<16xi32>,
        %broadcast_in_dim3A_73 = vector.broadcast %add3A_6 : i32 to vector<16xi32>
        %mul3A_74 = arith.constant 16 : i32
        %mul3A_75 = arith.muli %while3A_67, %mul3A_74 : i32
        %swap3A_76 = arith.index_cast %mul3A_75 : i32 to index
        %swap3A_77 = tpu.vector_load %arg9[%swap3A_76] {strides = array<i32>} : memref<128xi32, #tpu.memory_space<vmem>>, vector<16xi32>,
        tpu.vector_store %arg9[%swap3A_76], %broadcast_in_dim3A_73 {strides = array<i32>} : memref<128xi32, #tpu.memory_space<vmem>>, vector<16xi32>,
      }
      "tpu.region"() ({
        %run_scoped3A = tpu.sem_alloc : memref<!tpu.dma_semaphore, #tpu.memory_space<semaphore_mem>>
        %dma_start3A_67 = arith.constant 0 : i32
        %dma_start3A_68 = tpu.memref_slice %arg2[%dma_start3A_67] : memref<131072xi32, #tpu.memory_space<hbm>> -> memref<16384xi32, #tpu.memory_space<hbm>>
        %dma_start3A_69 = arith.constant 0 : i32
        %dma_start3A_70 = tpu.memref_slice %arg2[%dma_start3A_69] : memref<131072xi32, #tpu.memory_space<hbm>> -> memref<16384xi32, #tpu.memory_space<hbm>>
        tpu.enqueue_dma source(%dma_start3A_70 : memref<16384xi32, #tpu.memory_space<hbm>>) target(%arg7 : memref<16384xi32, #tpu.memory_space<vmem>>) target_semaphore(%run_scoped3A : memref<!tpu.dma_semaphore, #tpu.memory_space<semaphore_mem>>)
        %dma_wait3A_71 = arith.constant 0 : i32
        %dma_wait3A_72 = tpu.memref_slice %arg2[%dma_wait3A_71] : memref<131072xi32, #tpu.memory_space<hbm>> -> memref<16384xi32, #tpu.memory_space<hbm>>
        %dma_wait3A_73 = arith.constant 0 : i32
        %dma_wait3A_74 = tpu.memref_slice %arg2[%dma_wait3A_73] : memref<131072xi32, #tpu.memory_space<hbm>> -> memref<16384xi32, #tpu.memory_space<hbm>>
        tpu.wait_dma2 semaphore(%run_scoped3A : memref<!tpu.dma_semaphore, #tpu.memory_space<semaphore_mem>>) src(%dma_wait3A_74 : memref<16384xi32, #tpu.memory_space<hbm>>) dst(%arg7 : memref<16384xi32, #tpu.memory_space<vmem>>)
        tpu.yield
      }) : () -> ()
      %while3A_28 = arith.constant 1 : i32
      %while3A_29 = scf.while (%while3A_67 = %while3A_28) : (i32) -> i32 {
        %gt3A = arith.constant 0 : i32
        %gt3A_68 = arith.cmpi sgt, %while3A_67, %gt3A : i32
        scf.condition(%gt3A_68) %while3A_67 : i32
      } do {
      ^bb0(%while3A_67: i32):
        %broadcast_in_dim3A_68 = arith.constant false
        %broadcast_in_dim3A_69 = vector.broadcast %broadcast_in_dim3A_68 : i1 to vector<16xi1>
        %while3A_70 = arith.constant 0 : i32
        %while3A_71 = arith.constant 1024 : i32
        %while3A_72 = arith.subi %while3A_71, %while3A_70 : i32
        %while3A_73 = arith.addi %while3A_70, %while3A_72 : i32
        %while3A_74 = arith.constant 1 : i32
        %while3A_75 = arith.divsi %while3A_72, %while3A_74 : i32
        %while3A_76 = arith.muli %while3A_75, %while3A_74 : i32
        %while3A_77 = arith.addi %while3A_70, %while3A_76 : i32
        %while3A_78 = arith.constant 1 : i32
        %while3A_79 = scf.for %while3A_82 = %while3A_70 to %while3A_77 step %while3A_78 iter_args(%while3A_83 = %broadcast_in_dim3A_69) -> (vector<16xi1>)  : i32 {
          %mul3A_84 = arith.constant 16 : i32
          %mul3A_85 = arith.muli %while3A_82, %mul3A_84 : i32
          %get3A = arith.index_cast %mul3A_85 : i32 to index
          %get3A_86 = tpu.vector_load %arg7[%get3A] {strides = array<i32>} : memref<16384xi32, #tpu.memory_space<vmem>>, vector<16xi32>,
          %shift_right_arithmetic3A = arith.constant 15 : i32
          %shift_right_arithmetic3A_87 = vector.broadcast %shift_right_arithmetic3A : i32 to vector<16xi32>
          %shift_right_arithmetic3A_88 = arith.shrsi %get3A_86, %shift_right_arithmetic3A_87 : vector<16xi32>
          %eq3A = arith.cmpi eq, %shift_right_arithmetic3A_88, %broadcast_in_dim3A : vector<16xi32>
          %and3A = arith.constant 32767 : i32
          %and3A_89 = vector.broadcast %and3A : i32 to vector<16xi32>
          %and3A_90 = arith.andi %get3A_86, %and3A_89 : vector<16xi32>
          %mul3A_91 = arith.constant 16 : i32
          %mul3A_92 = arith.muli %while3A_82, %mul3A_91 : i32
          %add3A_93 = arith.constant 1 : i32
          %add3A_94 = arith.addi %add3A_93, %mul3A_92 : i32
          %add3A_95 = vector.broadcast %add3A_94 : i32 to vector<16xi32>
          %add3A_96 = arith.addi %add3A_95, %iota3A : vector<16xi32>
          %gather3A = tpu.vector_load_idx %arg6[%and3A_90] masked %eq3A : memref<32768xi32, #tpu.memory_space<vmem>>[vector<16xi32>], vector<16xi32>, vector<16xi1>
          %gt3A = arith.cmpi sgt, %add3A_96, %gather3A : vector<16xi32>
          %and3A_97 = arith.andi %eq3A, %gt3A : vector<16xi1>
          tpu.vector_store_idx %arg6[%and3A_90], %add3A_96 masked %and3A_97 : memref<32768xi32, #tpu.memory_space<vmem>>[vector<16xi32>], vector<16xi32>, vector<16xi1>
          %gather3A_98 = tpu.vector_load_idx %arg6[%and3A_90] masked %and3A_97 : memref<32768xi32, #tpu.memory_space<vmem>>[vector<16xi32>], vector<16xi32>, vector<16xi1>
          %gt3A_99 = arith.cmpi sgt, %add3A_96, %gather3A_98 : vector<16xi32>
          %and3A_100 = arith.andi %and3A_97, %gt3A_99 : vector<16xi1>
          %or3A = arith.ori %while3A_83, %and3A_100 : vector<16xi1>
          scf.yield %or3A : vector<16xi1>
        }
        %while3A_80 = arith.constant 1 : i32
        %while3A_81 = scf.for %while3A_82 = %while3A_77 to %while3A_73 step %while3A_80 iter_args(%while3A_83 = %while3A_79) -> (vector<16xi1>)  : i32 {
          %mul3A_84 = arith.constant 16 : i32
          %mul3A_85 = arith.muli %while3A_82, %mul3A_84 : i32
          %get3A = arith.index_cast %mul3A_85 : i32 to index
          %get3A_86 = tpu.vector_load %arg7[%get3A] {strides = array<i32>} : memref<16384xi32, #tpu.memory_space<vmem>>, vector<16xi32>,
          %shift_right_arithmetic3A = arith.constant 15 : i32
          %shift_right_arithmetic3A_87 = vector.broadcast %shift_right_arithmetic3A : i32 to vector<16xi32>
          %shift_right_arithmetic3A_88 = arith.shrsi %get3A_86, %shift_right_arithmetic3A_87 : vector<16xi32>
          %eq3A = arith.cmpi eq, %shift_right_arithmetic3A_88, %broadcast_in_dim3A : vector<16xi32>
          %and3A = arith.constant 32767 : i32
          %and3A_89 = vector.broadcast %and3A : i32 to vector<16xi32>
          %and3A_90 = arith.andi %get3A_86, %and3A_89 : vector<16xi32>
          %mul3A_91 = arith.constant 16 : i32
          %mul3A_92 = arith.muli %while3A_82, %mul3A_91 : i32
          %add3A_93 = arith.constant 1 : i32
          %add3A_94 = arith.addi %add3A_93, %mul3A_92 : i32
          %add3A_95 = vector.broadcast %add3A_94 : i32 to vector<16xi32>
          %add3A_96 = arith.addi %add3A_95, %iota3A : vector<16xi32>
          %gather3A = tpu.vector_load_idx %arg6[%and3A_90] masked %eq3A : memref<32768xi32, #tpu.memory_space<vmem>>[vector<16xi32>], vector<16xi32>, vector<16xi1>
          %gt3A = arith.cmpi sgt, %add3A_96, %gather3A : vector<16xi32>
          %and3A_97 = arith.andi %eq3A, %gt3A : vector<16xi1>
          tpu.vector_store_idx %arg6[%and3A_90], %add3A_96 masked %and3A_97 : memref<32768xi32, #tpu.memory_space<vmem>>[vector<16xi32>], vector<16xi32>, vector<16xi1>
          %gather3A_98 = tpu.vector_load_idx %arg6[%and3A_90] masked %and3A_97 : memref<32768xi32, #tpu.memory_space<vmem>>[vector<16xi32>], vector<16xi32>, vector<16xi1>
          %gt3A_99 = arith.cmpi sgt, %add3A_96, %gather3A_98 : vector<16xi32>
          %and3A_100 = arith.andi %and3A_97, %gt3A_99 : vector<16xi1>
          %or3A = arith.ori %while3A_83, %and3A_100 : vector<16xi1>
          scf.yield %or3A : vector<16xi1>
        }
        %all_reduce_population_count3A = tpu.all_reduce %while3A_81 {dim = 0 : i64, kind = #tpu.reduction_kind<sum>} : vector<16xi1> -> vector<16xi32>
        %slice3A = vector.extract_strided_slice %all_reduce_population_count3A {offsets = [0], sizes = [1], strides = [1]} : vector<16xi32> to vector<1xi32>
        %squeeze3A = vector.extract %slice3A[0] : i32 from vector<1xi32>
        scf.yield %squeeze3A : i32
      }
      "tpu.region"() ({
        %run_scoped3A = tpu.sem_alloc : memref<!tpu.dma_semaphore, #tpu.memory_space<semaphore_mem>>
        %dma_start3A_67 = arith.constant 16384 : i32
        %dma_start3A_68 = tpu.memref_slice %arg2[%dma_start3A_67] : memref<131072xi32, #tpu.memory_space<hbm>> -> memref<16384xi32, #tpu.memory_space<hbm>>
        %dma_start3A_69 = arith.constant 16384 : i32
        %dma_start3A_70 = tpu.memref_slice %arg2[%dma_start3A_69] : memref<131072xi32, #tpu.memory_space<hbm>> -> memref<16384xi32, #tpu.memory_space<hbm>>
        tpu.enqueue_dma source(%dma_start3A_70 : memref<16384xi32, #tpu.memory_space<hbm>>) target(%arg7 : memref<16384xi32, #tpu.memory_space<vmem>>) target_semaphore(%run_scoped3A : memref<!tpu.dma_semaphore, #tpu.memory_space<semaphore_mem>>)
        %dma_wait3A_71 = arith.constant 16384 : i32
        %dma_wait3A_72 = tpu.memref_slice %arg2[%dma_wait3A_71] : memref<131072xi32, #tpu.memory_space<hbm>> -> memref<16384xi32, #tpu.memory_space<hbm>>
        %dma_wait3A_73 = arith.constant 16384 : i32
        %dma_wait3A_74 = tpu.memref_slice %arg2[%dma_wait3A_73] : memref<131072xi32, #tpu.memory_space<hbm>> -> memref<16384xi32, #tpu.memory_space<hbm>>
        tpu.wait_dma2 semaphore(%run_scoped3A : memref<!tpu.dma_semaphore, #tpu.memory_space<semaphore_mem>>) src(%dma_wait3A_74 : memref<16384xi32, #tpu.memory_space<hbm>>) dst(%arg7 : memref<16384xi32, #tpu.memory_space<vmem>>)
        tpu.yield
      }) : () -> ()
      %while3A_30 = arith.constant 1 : i32
      %while3A_31 = scf.while (%while3A_67 = %while3A_30) : (i32) -> i32 {
        %gt3A = arith.constant 0 : i32
        %gt3A_68 = arith.cmpi sgt, %while3A_67, %gt3A : i32
        scf.condition(%gt3A_68) %while3A_67 : i32
      } do {
      ^bb0(%while3A_67: i32):
        %broadcast_in_dim3A_68 = arith.constant false
        %broadcast_in_dim3A_69 = vector.broadcast %broadcast_in_dim3A_68 : i1 to vector<16xi1>
        %while3A_70 = arith.constant 0 : i32
        %while3A_71 = arith.constant 1024 : i32
        %while3A_72 = arith.subi %while3A_71, %while3A_70 : i32
        %while3A_73 = arith.addi %while3A_70, %while3A_72 : i32
        %while3A_74 = arith.constant 1 : i32
        %while3A_75 = arith.divsi %while3A_72, %while3A_74 : i32
        %while3A_76 = arith.muli %while3A_75, %while3A_74 : i32
        %while3A_77 = arith.addi %while3A_70, %while3A_76 : i32
        %while3A_78 = arith.constant 1 : i32
        %while3A_79 = scf.for %while3A_82 = %while3A_70 to %while3A_77 step %while3A_78 iter_args(%while3A_83 = %broadcast_in_dim3A_69) -> (vector<16xi1>)  : i32 {
          %mul3A_84 = arith.constant 16 : i32
          %mul3A_85 = arith.muli %while3A_82, %mul3A_84 : i32
          %get3A = arith.index_cast %mul3A_85 : i32 to index
          %get3A_86 = tpu.vector_load %arg7[%get3A] {strides = array<i32>} : memref<16384xi32, #tpu.memory_space<vmem>>, vector<16xi32>,
          %shift_right_arithmetic3A = arith.constant 15 : i32
          %shift_right_arithmetic3A_87 = vector.broadcast %shift_right_arithmetic3A : i32 to vector<16xi32>
          %shift_right_arithmetic3A_88 = arith.shrsi %get3A_86, %shift_right_arithmetic3A_87 : vector<16xi32>
          %eq3A = arith.cmpi eq, %shift_right_arithmetic3A_88, %broadcast_in_dim3A : vector<16xi32>
          %and3A = arith.constant 32767 : i32
          %and3A_89 = vector.broadcast %and3A : i32 to vector<16xi32>
          %and3A_90 = arith.andi %get3A_86, %and3A_89 : vector<16xi32>
          %mul3A_91 = arith.constant 16 : i32
          %mul3A_92 = arith.muli %while3A_82, %mul3A_91 : i32
          %add3A_93 = arith.constant 16385 : i32
          %add3A_94 = arith.addi %add3A_93, %mul3A_92 : i32
          %add3A_95 = vector.broadcast %add3A_94 : i32 to vector<16xi32>
          %add3A_96 = arith.addi %add3A_95, %iota3A : vector<16xi32>
          %gather3A = tpu.vector_load_idx %arg6[%and3A_90] masked %eq3A : memref<32768xi32, #tpu.memory_space<vmem>>[vector<16xi32>], vector<16xi32>, vector<16xi1>
          %gt3A = arith.cmpi sgt, %add3A_96, %gather3A : vector<16xi32>
          %and3A_97 = arith.andi %eq3A, %gt3A : vector<16xi1>
          tpu.vector_store_idx %arg6[%and3A_90], %add3A_96 masked %and3A_97 : memref<32768xi32, #tpu.memory_space<vmem>>[vector<16xi32>], vector<16xi32>, vector<16xi1>
          %gather3A_98 = tpu.vector_load_idx %arg6[%and3A_90] masked %and3A_97 : memref<32768xi32, #tpu.memory_space<vmem>>[vector<16xi32>], vector<16xi32>, vector<16xi1>
          %gt3A_99 = arith.cmpi sgt, %add3A_96, %gather3A_98 : vector<16xi32>
          %and3A_100 = arith.andi %and3A_97, %gt3A_99 : vector<16xi1>
          %or3A = arith.ori %while3A_83, %and3A_100 : vector<16xi1>
          scf.yield %or3A : vector<16xi1>
        }
        %while3A_80 = arith.constant 1 : i32
        %while3A_81 = scf.for %while3A_82 = %while3A_77 to %while3A_73 step %while3A_80 iter_args(%while3A_83 = %while3A_79) -> (vector<16xi1>)  : i32 {
          %mul3A_84 = arith.constant 16 : i32
          %mul3A_85 = arith.muli %while3A_82, %mul3A_84 : i32
          %get3A = arith.index_cast %mul3A_85 : i32 to index
          %get3A_86 = tpu.vector_load %arg7[%get3A] {strides = array<i32>} : memref<16384xi32, #tpu.memory_space<vmem>>, vector<16xi32>,
          %shift_right_arithmetic3A = arith.constant 15 : i32
          %shift_right_arithmetic3A_87 = vector.broadcast %shift_right_arithmetic3A : i32 to vector<16xi32>
          %shift_right_arithmetic3A_88 = arith.shrsi %get3A_86, %shift_right_arithmetic3A_87 : vector<16xi32>
          %eq3A = arith.cmpi eq, %shift_right_arithmetic3A_88, %broadcast_in_dim3A : vector<16xi32>
          %and3A = arith.constant 32767 : i32
          %and3A_89 = vector.broadcast %and3A : i32 to vector<16xi32>
          %and3A_90 = arith.andi %get3A_86, %and3A_89 : vector<16xi32>
          %mul3A_91 = arith.constant 16 : i32
          %mul3A_92 = arith.muli %while3A_82, %mul3A_91 : i32
          %add3A_93 = arith.constant 16385 : i32
          %add3A_94 = arith.addi %add3A_93, %mul3A_92 : i32
          %add3A_95 = vector.broadcast %add3A_94 : i32 to vector<16xi32>
          %add3A_96 = arith.addi %add3A_95, %iota3A : vector<16xi32>
          %gather3A = tpu.vector_load_idx %arg6[%and3A_90] masked %eq3A : memref<32768xi32, #tpu.memory_space<vmem>>[vector<16xi32>], vector<16xi32>, vector<16xi1>
          %gt3A = arith.cmpi sgt, %add3A_96, %gather3A : vector<16xi32>
          %and3A_97 = arith.andi %eq3A, %gt3A : vector<16xi1>
          tpu.vector_store_idx %arg6[%and3A_90], %add3A_96 masked %and3A_97 : memref<32768xi32, #tpu.memory_space<vmem>>[vector<16xi32>], vector<16xi32>, vector<16xi1>
          %gather3A_98 = tpu.vector_load_idx %arg6[%and3A_90] masked %and3A_97 : memref<32768xi32, #tpu.memory_space<vmem>>[vector<16xi32>], vector<16xi32>, vector<16xi1>
          %gt3A_99 = arith.cmpi sgt, %add3A_96, %gather3A_98 : vector<16xi32>
          %and3A_100 = arith.andi %and3A_97, %gt3A_99 : vector<16xi1>
          %or3A = arith.ori %while3A_83, %and3A_100 : vector<16xi1>
          scf.yield %or3A : vector<16xi1>
        }
        %all_reduce_population_count3A = tpu.all_reduce %while3A_81 {dim = 0 : i64, kind = #tpu.reduction_kind<sum>} : vector<16xi1> -> vector<16xi32>
        %slice3A = vector.extract_strided_slice %all_reduce_population_count3A {offsets = [0], sizes = [1], strides = [1]} : vector<16xi32> to vector<1xi32>
        %squeeze3A = vector.extract %slice3A[0] : i32 from vector<1xi32>
        scf.yield %squeeze3A : i32
      }
      "tpu.region"() ({
        %run_scoped3A = tpu.sem_alloc : memref<!tpu.dma_semaphore, #tpu.memory_space<semaphore_mem>>
        %dma_start3A_67 = arith.constant 32768 : i32
        %dma_start3A_68 = tpu.memref_slice %arg2[%dma_start3A_67] : memref<131072xi32, #tpu.memory_space<hbm>> -> memref<16384xi32, #tpu.memory_space<hbm>>
        %dma_start3A_69 = arith.constant 32768 : i32
        %dma_start3A_70 = tpu.memref_slice %arg2[%dma_start3A_69] : memref<131072xi32, #tpu.memory_space<hbm>> -> memref<16384xi32, #tpu.memory_space<hbm>>
        tpu.enqueue_dma source(%dma_start3A_70 : memref<16384xi32, #tpu.memory_space<hbm>>) target(%arg7 : memref<16384xi32, #tpu.memory_space<vmem>>) target_semaphore(%run_scoped3A : memref<!tpu.dma_semaphore, #tpu.memory_space<semaphore_mem>>)
        %dma_wait3A_71 = arith.constant 32768 : i32
        %dma_wait3A_72 = tpu.memref_slice %arg2[%dma_wait3A_71] : memref<131072xi32, #tpu.memory_space<hbm>> -> memref<16384xi32, #tpu.memory_space<hbm>>
        %dma_wait3A_73 = arith.constant 32768 : i32
        %dma_wait3A_74 = tpu.memref_slice %arg2[%dma_wait3A_73] : memref<131072xi32, #tpu.memory_space<hbm>> -> memref<16384xi32, #tpu.memory_space<hbm>>
        tpu.wait_dma2 semaphore(%run_scoped3A : memref<!tpu.dma_semaphore, #tpu.memory_space<semaphore_mem>>) src(%dma_wait3A_74 : memref<16384xi32, #tpu.memory_space<hbm>>) dst(%arg7 : memref<16384xi32, #tpu.memory_space<vmem>>)
        tpu.yield
      }) : () -> ()
      %while3A_32 = arith.constant 1 : i32
      %while3A_33 = scf.while (%while3A_67 = %while3A_32) : (i32) -> i32 {
        %gt3A = arith.constant 0 : i32
        %gt3A_68 = arith.cmpi sgt, %while3A_67, %gt3A : i32
        scf.condition(%gt3A_68) %while3A_67 : i32
      } do {
      ^bb0(%while3A_67: i32):
        %broadcast_in_dim3A_68 = arith.constant false
        %broadcast_in_dim3A_69 = vector.broadcast %broadcast_in_dim3A_68 : i1 to vector<16xi1>
        %while3A_70 = arith.constant 0 : i32
        %while3A_71 = arith.constant 1024 : i32
        %while3A_72 = arith.subi %while3A_71, %while3A_70 : i32
        %while3A_73 = arith.addi %while3A_70, %while3A_72 : i32
        %while3A_74 = arith.constant 1 : i32
        %while3A_75 = arith.divsi %while3A_72, %while3A_74 : i32
        %while3A_76 = arith.muli %while3A_75, %while3A_74 : i32
        %while3A_77 = arith.addi %while3A_70, %while3A_76 : i32
        %while3A_78 = arith.constant 1 : i32
        %while3A_79 = scf.for %while3A_82 = %while3A_70 to %while3A_77 step %while3A_78 iter_args(%while3A_83 = %broadcast_in_dim3A_69) -> (vector<16xi1>)  : i32 {
          %mul3A_84 = arith.constant 16 : i32
          %mul3A_85 = arith.muli %while3A_82, %mul3A_84 : i32
          %get3A = arith.index_cast %mul3A_85 : i32 to index
          %get3A_86 = tpu.vector_load %arg7[%get3A] {strides = array<i32>} : memref<16384xi32, #tpu.memory_space<vmem>>, vector<16xi32>,
          %shift_right_arithmetic3A = arith.constant 15 : i32
          %shift_right_arithmetic3A_87 = vector.broadcast %shift_right_arithmetic3A : i32 to vector<16xi32>
          %shift_right_arithmetic3A_88 = arith.shrsi %get3A_86, %shift_right_arithmetic3A_87 : vector<16xi32>
          %eq3A = arith.cmpi eq, %shift_right_arithmetic3A_88, %broadcast_in_dim3A : vector<16xi32>
          %and3A = arith.constant 32767 : i32
          %and3A_89 = vector.broadcast %and3A : i32 to vector<16xi32>
          %and3A_90 = arith.andi %get3A_86, %and3A_89 : vector<16xi32>
          %mul3A_91 = arith.constant 16 : i32
          %mul3A_92 = arith.muli %while3A_82, %mul3A_91 : i32
          %add3A_93 = arith.constant 32769 : i32
          %add3A_94 = arith.addi %add3A_93, %mul3A_92 : i32
          %add3A_95 = vector.broadcast %add3A_94 : i32 to vector<16xi32>
          %add3A_96 = arith.addi %add3A_95, %iota3A : vector<16xi32>
          %gather3A = tpu.vector_load_idx %arg6[%and3A_90] masked %eq3A : memref<32768xi32, #tpu.memory_space<vmem>>[vector<16xi32>], vector<16xi32>, vector<16xi1>
          %gt3A = arith.cmpi sgt, %add3A_96, %gather3A : vector<16xi32>
          %and3A_97 = arith.andi %eq3A, %gt3A : vector<16xi1>
          tpu.vector_store_idx %arg6[%and3A_90], %add3A_96 masked %and3A_97 : memref<32768xi32, #tpu.memory_space<vmem>>[vector<16xi32>], vector<16xi32>, vector<16xi1>
          %gather3A_98 = tpu.vector_load_idx %arg6[%and3A_90] masked %and3A_97 : memref<32768xi32, #tpu.memory_space<vmem>>[vector<16xi32>], vector<16xi32>, vector<16xi1>
          %gt3A_99 = arith.cmpi sgt, %add3A_96, %gather3A_98 : vector<16xi32>
          %and3A_100 = arith.andi %and3A_97, %gt3A_99 : vector<16xi1>
          %or3A = arith.ori %while3A_83, %and3A_100 : vector<16xi1>
          scf.yield %or3A : vector<16xi1>
        }
        %while3A_80 = arith.constant 1 : i32
        %while3A_81 = scf.for %while3A_82 = %while3A_77 to %while3A_73 step %while3A_80 iter_args(%while3A_83 = %while3A_79) -> (vector<16xi1>)  : i32 {
          %mul3A_84 = arith.constant 16 : i32
          %mul3A_85 = arith.muli %while3A_82, %mul3A_84 : i32
          %get3A = arith.index_cast %mul3A_85 : i32 to index
          %get3A_86 = tpu.vector_load %arg7[%get3A] {strides = array<i32>} : memref<16384xi32, #tpu.memory_space<vmem>>, vector<16xi32>,
          %shift_right_arithmetic3A = arith.constant 15 : i32
          %shift_right_arithmetic3A_87 = vector.broadcast %shift_right_arithmetic3A : i32 to vector<16xi32>
          %shift_right_arithmetic3A_88 = arith.shrsi %get3A_86, %shift_right_arithmetic3A_87 : vector<16xi32>
          %eq3A = arith.cmpi eq, %shift_right_arithmetic3A_88, %broadcast_in_dim3A : vector<16xi32>
          %and3A = arith.constant 32767 : i32
          %and3A_89 = vector.broadcast %and3A : i32 to vector<16xi32>
          %and3A_90 = arith.andi %get3A_86, %and3A_89 : vector<16xi32>
          %mul3A_91 = arith.constant 16 : i32
          %mul3A_92 = arith.muli %while3A_82, %mul3A_91 : i32
          %add3A_93 = arith.constant 32769 : i32
          %add3A_94 = arith.addi %add3A_93, %mul3A_92 : i32
          %add3A_95 = vector.broadcast %add3A_94 : i32 to vector<16xi32>
          %add3A_96 = arith.addi %add3A_95, %iota3A : vector<16xi32>
          %gather3A = tpu.vector_load_idx %arg6[%and3A_90] masked %eq3A : memref<32768xi32, #tpu.memory_space<vmem>>[vector<16xi32>], vector<16xi32>, vector<16xi1>
          %gt3A = arith.cmpi sgt, %add3A_96, %gather3A : vector<16xi32>
          %and3A_97 = arith.andi %eq3A, %gt3A : vector<16xi1>
          tpu.vector_store_idx %arg6[%and3A_90], %add3A_96 masked %and3A_97 : memref<32768xi32, #tpu.memory_space<vmem>>[vector<16xi32>], vector<16xi32>, vector<16xi1>
          %gather3A_98 = tpu.vector_load_idx %arg6[%and3A_90] masked %and3A_97 : memref<32768xi32, #tpu.memory_space<vmem>>[vector<16xi32>], vector<16xi32>, vector<16xi1>
          %gt3A_99 = arith.cmpi sgt, %add3A_96, %gather3A_98 : vector<16xi32>
          %and3A_100 = arith.andi %and3A_97, %gt3A_99 : vector<16xi1>
          %or3A = arith.ori %while3A_83, %and3A_100 : vector<16xi1>
          scf.yield %or3A : vector<16xi1>
        }
        %all_reduce_population_count3A = tpu.all_reduce %while3A_81 {dim = 0 : i64, kind = #tpu.reduction_kind<sum>} : vector<16xi1> -> vector<16xi32>
        %slice3A = vector.extract_strided_slice %all_reduce_population_count3A {offsets = [0], sizes = [1], strides = [1]} : vector<16xi32> to vector<1xi32>
        %squeeze3A = vector.extract %slice3A[0] : i32 from vector<1xi32>
        scf.yield %squeeze3A : i32
      }
      "tpu.region"() ({
        %run_scoped3A = tpu.sem_alloc : memref<!tpu.dma_semaphore, #tpu.memory_space<semaphore_mem>>
        %dma_start3A_67 = arith.constant 49152 : i32
        %dma_start3A_68 = tpu.memref_slice %arg2[%dma_start3A_67] : memref<131072xi32, #tpu.memory_space<hbm>> -> memref<16384xi32, #tpu.memory_space<hbm>>
        %dma_start3A_69 = arith.constant 49152 : i32
        %dma_start3A_70 = tpu.memref_slice %arg2[%dma_start3A_69] : memref<131072xi32, #tpu.memory_space<hbm>> -> memref<16384xi32, #tpu.memory_space<hbm>>
        tpu.enqueue_dma source(%dma_start3A_70 : memref<16384xi32, #tpu.memory_space<hbm>>) target(%arg7 : memref<16384xi32, #tpu.memory_space<vmem>>) target_semaphore(%run_scoped3A : memref<!tpu.dma_semaphore, #tpu.memory_space<semaphore_mem>>)
        %dma_wait3A_71 = arith.constant 49152 : i32
        %dma_wait3A_72 = tpu.memref_slice %arg2[%dma_wait3A_71] : memref<131072xi32, #tpu.memory_space<hbm>> -> memref<16384xi32, #tpu.memory_space<hbm>>
        %dma_wait3A_73 = arith.constant 49152 : i32
        %dma_wait3A_74 = tpu.memref_slice %arg2[%dma_wait3A_73] : memref<131072xi32, #tpu.memory_space<hbm>> -> memref<16384xi32, #tpu.memory_space<hbm>>
        tpu.wait_dma2 semaphore(%run_scoped3A : memref<!tpu.dma_semaphore, #tpu.memory_space<semaphore_mem>>) src(%dma_wait3A_74 : memref<16384xi32, #tpu.memory_space<hbm>>) dst(%arg7 : memref<16384xi32, #tpu.memory_space<vmem>>)
        tpu.yield
      }) : () -> ()
      %while3A_34 = arith.constant 1 : i32
      %while3A_35 = scf.while (%while3A_67 = %while3A_34) : (i32) -> i32 {
        %gt3A = arith.constant 0 : i32
        %gt3A_68 = arith.cmpi sgt, %while3A_67, %gt3A : i32
        scf.condition(%gt3A_68) %while3A_67 : i32
      } do {
      ^bb0(%while3A_67: i32):
        %broadcast_in_dim3A_68 = arith.constant false
        %broadcast_in_dim3A_69 = vector.broadcast %broadcast_in_dim3A_68 : i1 to vector<16xi1>
        %while3A_70 = arith.constant 0 : i32
        %while3A_71 = arith.constant 1024 : i32
        %while3A_72 = arith.subi %while3A_71, %while3A_70 : i32
        %while3A_73 = arith.addi %while3A_70, %while3A_72 : i32
        %while3A_74 = arith.constant 1 : i32
        %while3A_75 = arith.divsi %while3A_72, %while3A_74 : i32
        %while3A_76 = arith.muli %while3A_75, %while3A_74 : i32
        %while3A_77 = arith.addi %while3A_70, %while3A_76 : i32
        %while3A_78 = arith.constant 1 : i32
        %while3A_79 = scf.for %while3A_82 = %while3A_70 to %while3A_77 step %while3A_78 iter_args(%while3A_83 = %broadcast_in_dim3A_69) -> (vector<16xi1>)  : i32 {
          %mul3A_84 = arith.constant 16 : i32
          %mul3A_85 = arith.muli %while3A_82, %mul3A_84 : i32
          %get3A = arith.index_cast %mul3A_85 : i32 to index
          %get3A_86 = tpu.vector_load %arg7[%get3A] {strides = array<i32>} : memref<16384xi32, #tpu.memory_space<vmem>>, vector<16xi32>,
          %shift_right_arithmetic3A = arith.constant 15 : i32
          %shift_right_arithmetic3A_87 = vector.broadcast %shift_right_arithmetic3A : i32 to vector<16xi32>
          %shift_right_arithmetic3A_88 = arith.shrsi %get3A_86, %shift_right_arithmetic3A_87 : vector<16xi32>
          %eq3A = arith.cmpi eq, %shift_right_arithmetic3A_88, %broadcast_in_dim3A : vector<16xi32>
          %and3A = arith.constant 32767 : i32
          %and3A_89 = vector.broadcast %and3A : i32 to vector<16xi32>
          %and3A_90 = arith.andi %get3A_86, %and3A_89 : vector<16xi32>
          %mul3A_91 = arith.constant 16 : i32
          %mul3A_92 = arith.muli %while3A_82, %mul3A_91 : i32
          %add3A_93 = arith.constant 49153 : i32
          %add3A_94 = arith.addi %add3A_93, %mul3A_92 : i32
          %add3A_95 = vector.broadcast %add3A_94 : i32 to vector<16xi32>
          %add3A_96 = arith.addi %add3A_95, %iota3A : vector<16xi32>
          %gather3A = tpu.vector_load_idx %arg6[%and3A_90] masked %eq3A : memref<32768xi32, #tpu.memory_space<vmem>>[vector<16xi32>], vector<16xi32>, vector<16xi1>
          %gt3A = arith.cmpi sgt, %add3A_96, %gather3A : vector<16xi32>
          %and3A_97 = arith.andi %eq3A, %gt3A : vector<16xi1>
          tpu.vector_store_idx %arg6[%and3A_90], %add3A_96 masked %and3A_97 : memref<32768xi32, #tpu.memory_space<vmem>>[vector<16xi32>], vector<16xi32>, vector<16xi1>
          %gather3A_98 = tpu.vector_load_idx %arg6[%and3A_90] masked %and3A_97 : memref<32768xi32, #tpu.memory_space<vmem>>[vector<16xi32>], vector<16xi32>, vector<16xi1>
          %gt3A_99 = arith.cmpi sgt, %add3A_96, %gather3A_98 : vector<16xi32>
          %and3A_100 = arith.andi %and3A_97, %gt3A_99 : vector<16xi1>
          %or3A = arith.ori %while3A_83, %and3A_100 : vector<16xi1>
          scf.yield %or3A : vector<16xi1>
        }
        %while3A_80 = arith.constant 1 : i32
        %while3A_81 = scf.for %while3A_82 = %while3A_77 to %while3A_73 step %while3A_80 iter_args(%while3A_83 = %while3A_79) -> (vector<16xi1>)  : i32 {
          %mul3A_84 = arith.constant 16 : i32
          %mul3A_85 = arith.muli %while3A_82, %mul3A_84 : i32
          %get3A = arith.index_cast %mul3A_85 : i32 to index
          %get3A_86 = tpu.vector_load %arg7[%get3A] {strides = array<i32>} : memref<16384xi32, #tpu.memory_space<vmem>>, vector<16xi32>,
          %shift_right_arithmetic3A = arith.constant 15 : i32
          %shift_right_arithmetic3A_87 = vector.broadcast %shift_right_arithmetic3A : i32 to vector<16xi32>
          %shift_right_arithmetic3A_88 = arith.shrsi %get3A_86, %shift_right_arithmetic3A_87 : vector<16xi32>
          %eq3A = arith.cmpi eq, %shift_right_arithmetic3A_88, %broadcast_in_dim3A : vector<16xi32>
          %and3A = arith.constant 32767 : i32
          %and3A_89 = vector.broadcast %and3A : i32 to vector<16xi32>
          %and3A_90 = arith.andi %get3A_86, %and3A_89 : vector<16xi32>
          %mul3A_91 = arith.constant 16 : i32
          %mul3A_92 = arith.muli %while3A_82, %mul3A_91 : i32
          %add3A_93 = arith.constant 49153 : i32
          %add3A_94 = arith.addi %add3A_93, %mul3A_92 : i32
          %add3A_95 = vector.broadcast %add3A_94 : i32 to vector<16xi32>
          %add3A_96 = arith.addi %add3A_95, %iota3A : vector<16xi32>
          %gather3A = tpu.vector_load_idx %arg6[%and3A_90] masked %eq3A : memref<32768xi32, #tpu.memory_space<vmem>>[vector<16xi32>], vector<16xi32>, vector<16xi1>
          %gt3A = arith.cmpi sgt, %add3A_96, %gather3A : vector<16xi32>
          %and3A_97 = arith.andi %eq3A, %gt3A : vector<16xi1>
          tpu.vector_store_idx %arg6[%and3A_90], %add3A_96 masked %and3A_97 : memref<32768xi32, #tpu.memory_space<vmem>>[vector<16xi32>], vector<16xi32>, vector<16xi1>
          %gather3A_98 = tpu.vector_load_idx %arg6[%and3A_90] masked %and3A_97 : memref<32768xi32, #tpu.memory_space<vmem>>[vector<16xi32>], vector<16xi32>, vector<16xi1>
          %gt3A_99 = arith.cmpi sgt, %add3A_96, %gather3A_98 : vector<16xi32>
          %and3A_100 = arith.andi %and3A_97, %gt3A_99 : vector<16xi1>
          %or3A = arith.ori %while3A_83, %and3A_100 : vector<16xi1>
          scf.yield %or3A : vector<16xi1>
        }
        %all_reduce_population_count3A = tpu.all_reduce %while3A_81 {dim = 0 : i64, kind = #tpu.reduction_kind<sum>} : vector<16xi1> -> vector<16xi32>
        %slice3A = vector.extract_strided_slice %all_reduce_population_count3A {offsets = [0], sizes = [1], strides = [1]} : vector<16xi32> to vector<1xi32>
        %squeeze3A = vector.extract %slice3A[0] : i32 from vector<1xi32>
        scf.yield %squeeze3A : i32
      }
      "tpu.region"() ({
        %run_scoped3A = tpu.sem_alloc : memref<!tpu.dma_semaphore, #tpu.memory_space<semaphore_mem>>
        %dma_start3A_67 = arith.constant 65536 : i32
        %dma_start3A_68 = tpu.memref_slice %arg2[%dma_start3A_67] : memref<131072xi32, #tpu.memory_space<hbm>> -> memref<16384xi32, #tpu.memory_space<hbm>>
        %dma_start3A_69 = arith.constant 65536 : i32
        %dma_start3A_70 = tpu.memref_slice %arg2[%dma_start3A_69] : memref<131072xi32, #tpu.memory_space<hbm>> -> memref<16384xi32, #tpu.memory_space<hbm>>
        tpu.enqueue_dma source(%dma_start3A_70 : memref<16384xi32, #tpu.memory_space<hbm>>) target(%arg7 : memref<16384xi32, #tpu.memory_space<vmem>>) target_semaphore(%run_scoped3A : memref<!tpu.dma_semaphore, #tpu.memory_space<semaphore_mem>>)
        %dma_wait3A_71 = arith.constant 65536 : i32
        %dma_wait3A_72 = tpu.memref_slice %arg2[%dma_wait3A_71] : memref<131072xi32, #tpu.memory_space<hbm>> -> memref<16384xi32, #tpu.memory_space<hbm>>
        %dma_wait3A_73 = arith.constant 65536 : i32
        %dma_wait3A_74 = tpu.memref_slice %arg2[%dma_wait3A_73] : memref<131072xi32, #tpu.memory_space<hbm>> -> memref<16384xi32, #tpu.memory_space<hbm>>
        tpu.wait_dma2 semaphore(%run_scoped3A : memref<!tpu.dma_semaphore, #tpu.memory_space<semaphore_mem>>) src(%dma_wait3A_74 : memref<16384xi32, #tpu.memory_space<hbm>>) dst(%arg7 : memref<16384xi32, #tpu.memory_space<vmem>>)
        tpu.yield
      }) : () -> ()
      %while3A_36 = arith.constant 1 : i32
      %while3A_37 = scf.while (%while3A_67 = %while3A_36) : (i32) -> i32 {
        %gt3A = arith.constant 0 : i32
        %gt3A_68 = arith.cmpi sgt, %while3A_67, %gt3A : i32
        scf.condition(%gt3A_68) %while3A_67 : i32
      } do {
      ^bb0(%while3A_67: i32):
        %broadcast_in_dim3A_68 = arith.constant false
        %broadcast_in_dim3A_69 = vector.broadcast %broadcast_in_dim3A_68 : i1 to vector<16xi1>
        %while3A_70 = arith.constant 0 : i32
        %while3A_71 = arith.constant 1024 : i32
        %while3A_72 = arith.subi %while3A_71, %while3A_70 : i32
        %while3A_73 = arith.addi %while3A_70, %while3A_72 : i32
        %while3A_74 = arith.constant 1 : i32
        %while3A_75 = arith.divsi %while3A_72, %while3A_74 : i32
        %while3A_76 = arith.muli %while3A_75, %while3A_74 : i32
        %while3A_77 = arith.addi %while3A_70, %while3A_76 : i32
        %while3A_78 = arith.constant 1 : i32
        %while3A_79 = scf.for %while3A_82 = %while3A_70 to %while3A_77 step %while3A_78 iter_args(%while3A_83 = %broadcast_in_dim3A_69) -> (vector<16xi1>)  : i32 {
          %mul3A_84 = arith.constant 16 : i32
          %mul3A_85 = arith.muli %while3A_82, %mul3A_84 : i32
          %get3A = arith.index_cast %mul3A_85 : i32 to index
          %get3A_86 = tpu.vector_load %arg7[%get3A] {strides = array<i32>} : memref<16384xi32, #tpu.memory_space<vmem>>, vector<16xi32>,
          %shift_right_arithmetic3A = arith.constant 15 : i32
          %shift_right_arithmetic3A_87 = vector.broadcast %shift_right_arithmetic3A : i32 to vector<16xi32>
          %shift_right_arithmetic3A_88 = arith.shrsi %get3A_86, %shift_right_arithmetic3A_87 : vector<16xi32>
          %eq3A = arith.cmpi eq, %shift_right_arithmetic3A_88, %broadcast_in_dim3A : vector<16xi32>
          %and3A = arith.constant 32767 : i32
          %and3A_89 = vector.broadcast %and3A : i32 to vector<16xi32>
          %and3A_90 = arith.andi %get3A_86, %and3A_89 : vector<16xi32>
          %mul3A_91 = arith.constant 16 : i32
          %mul3A_92 = arith.muli %while3A_82, %mul3A_91 : i32
          %add3A_93 = arith.constant 65537 : i32
          %add3A_94 = arith.addi %add3A_93, %mul3A_92 : i32
          %add3A_95 = vector.broadcast %add3A_94 : i32 to vector<16xi32>
          %add3A_96 = arith.addi %add3A_95, %iota3A : vector<16xi32>
          %gather3A = tpu.vector_load_idx %arg6[%and3A_90] masked %eq3A : memref<32768xi32, #tpu.memory_space<vmem>>[vector<16xi32>], vector<16xi32>, vector<16xi1>
          %gt3A = arith.cmpi sgt, %add3A_96, %gather3A : vector<16xi32>
          %and3A_97 = arith.andi %eq3A, %gt3A : vector<16xi1>
          tpu.vector_store_idx %arg6[%and3A_90], %add3A_96 masked %and3A_97 : memref<32768xi32, #tpu.memory_space<vmem>>[vector<16xi32>], vector<16xi32>, vector<16xi1>
          %gather3A_98 = tpu.vector_load_idx %arg6[%and3A_90] masked %and3A_97 : memref<32768xi32, #tpu.memory_space<vmem>>[vector<16xi32>], vector<16xi32>, vector<16xi1>
          %gt3A_99 = arith.cmpi sgt, %add3A_96, %gather3A_98 : vector<16xi32>
          %and3A_100 = arith.andi %and3A_97, %gt3A_99 : vector<16xi1>
          %or3A = arith.ori %while3A_83, %and3A_100 : vector<16xi1>
          scf.yield %or3A : vector<16xi1>
        }
        %while3A_80 = arith.constant 1 : i32
        %while3A_81 = scf.for %while3A_82 = %while3A_77 to %while3A_73 step %while3A_80 iter_args(%while3A_83 = %while3A_79) -> (vector<16xi1>)  : i32 {
          %mul3A_84 = arith.constant 16 : i32
          %mul3A_85 = arith.muli %while3A_82, %mul3A_84 : i32
          %get3A = arith.index_cast %mul3A_85 : i32 to index
          %get3A_86 = tpu.vector_load %arg7[%get3A] {strides = array<i32>} : memref<16384xi32, #tpu.memory_space<vmem>>, vector<16xi32>,
          %shift_right_arithmetic3A = arith.constant 15 : i32
          %shift_right_arithmetic3A_87 = vector.broadcast %shift_right_arithmetic3A : i32 to vector<16xi32>
          %shift_right_arithmetic3A_88 = arith.shrsi %get3A_86, %shift_right_arithmetic3A_87 : vector<16xi32>
          %eq3A = arith.cmpi eq, %shift_right_arithmetic3A_88, %broadcast_in_dim3A : vector<16xi32>
          %and3A = arith.constant 32767 : i32
          %and3A_89 = vector.broadcast %and3A : i32 to vector<16xi32>
          %and3A_90 = arith.andi %get3A_86, %and3A_89 : vector<16xi32>
          %mul3A_91 = arith.constant 16 : i32
          %mul3A_92 = arith.muli %while3A_82, %mul3A_91 : i32
          %add3A_93 = arith.constant 65537 : i32
          %add3A_94 = arith.addi %add3A_93, %mul3A_92 : i32
          %add3A_95 = vector.broadcast %add3A_94 : i32 to vector<16xi32>
          %add3A_96 = arith.addi %add3A_95, %iota3A : vector<16xi32>
          %gather3A = tpu.vector_load_idx %arg6[%and3A_90] masked %eq3A : memref<32768xi32, #tpu.memory_space<vmem>>[vector<16xi32>], vector<16xi32>, vector<16xi1>
          %gt3A = arith.cmpi sgt, %add3A_96, %gather3A : vector<16xi32>
          %and3A_97 = arith.andi %eq3A, %gt3A : vector<16xi1>
          tpu.vector_store_idx %arg6[%and3A_90], %add3A_96 masked %and3A_97 : memref<32768xi32, #tpu.memory_space<vmem>>[vector<16xi32>], vector<16xi32>, vector<16xi1>
          %gather3A_98 = tpu.vector_load_idx %arg6[%and3A_90] masked %and3A_97 : memref<32768xi32, #tpu.memory_space<vmem>>[vector<16xi32>], vector<16xi32>, vector<16xi1>
          %gt3A_99 = arith.cmpi sgt, %add3A_96, %gather3A_98 : vector<16xi32>
          %and3A_100 = arith.andi %and3A_97, %gt3A_99 : vector<16xi1>
          %or3A = arith.ori %while3A_83, %and3A_100 : vector<16xi1>
          scf.yield %or3A : vector<16xi1>
        }
        %all_reduce_population_count3A = tpu.all_reduce %while3A_81 {dim = 0 : i64, kind = #tpu.reduction_kind<sum>} : vector<16xi1> -> vector<16xi32>
        %slice3A = vector.extract_strided_slice %all_reduce_population_count3A {offsets = [0], sizes = [1], strides = [1]} : vector<16xi32> to vector<1xi32>
        %squeeze3A = vector.extract %slice3A[0] : i32 from vector<1xi32>
        scf.yield %squeeze3A : i32
      }
      "tpu.region"() ({
        %run_scoped3A = tpu.sem_alloc : memref<!tpu.dma_semaphore, #tpu.memory_space<semaphore_mem>>
        %dma_start3A_67 = arith.constant 81920 : i32
        %dma_start3A_68 = tpu.memref_slice %arg2[%dma_start3A_67] : memref<131072xi32, #tpu.memory_space<hbm>> -> memref<16384xi32, #tpu.memory_space<hbm>>
        %dma_start3A_69 = arith.constant 81920 : i32
        %dma_start3A_70 = tpu.memref_slice %arg2[%dma_start3A_69] : memref<131072xi32, #tpu.memory_space<hbm>> -> memref<16384xi32, #tpu.memory_space<hbm>>
        tpu.enqueue_dma source(%dma_start3A_70 : memref<16384xi32, #tpu.memory_space<hbm>>) target(%arg7 : memref<16384xi32, #tpu.memory_space<vmem>>) target_semaphore(%run_scoped3A : memref<!tpu.dma_semaphore, #tpu.memory_space<semaphore_mem>>)
        %dma_wait3A_71 = arith.constant 81920 : i32
        %dma_wait3A_72 = tpu.memref_slice %arg2[%dma_wait3A_71] : memref<131072xi32, #tpu.memory_space<hbm>> -> memref<16384xi32, #tpu.memory_space<hbm>>
        %dma_wait3A_73 = arith.constant 81920 : i32
        %dma_wait3A_74 = tpu.memref_slice %arg2[%dma_wait3A_73] : memref<131072xi32, #tpu.memory_space<hbm>> -> memref<16384xi32, #tpu.memory_space<hbm>>
        tpu.wait_dma2 semaphore(%run_scoped3A : memref<!tpu.dma_semaphore, #tpu.memory_space<semaphore_mem>>) src(%dma_wait3A_74 : memref<16384xi32, #tpu.memory_space<hbm>>) dst(%arg7 : memref<16384xi32, #tpu.memory_space<vmem>>)
        tpu.yield
      }) : () -> ()
      %while3A_38 = arith.constant 1 : i32
      %while3A_39 = scf.while (%while3A_67 = %while3A_38) : (i32) -> i32 {
        %gt3A = arith.constant 0 : i32
        %gt3A_68 = arith.cmpi sgt, %while3A_67, %gt3A : i32
        scf.condition(%gt3A_68) %while3A_67 : i32
      } do {
      ^bb0(%while3A_67: i32):
        %broadcast_in_dim3A_68 = arith.constant false
        %broadcast_in_dim3A_69 = vector.broadcast %broadcast_in_dim3A_68 : i1 to vector<16xi1>
        %while3A_70 = arith.constant 0 : i32
        %while3A_71 = arith.constant 1024 : i32
        %while3A_72 = arith.subi %while3A_71, %while3A_70 : i32
        %while3A_73 = arith.addi %while3A_70, %while3A_72 : i32
        %while3A_74 = arith.constant 1 : i32
        %while3A_75 = arith.divsi %while3A_72, %while3A_74 : i32
        %while3A_76 = arith.muli %while3A_75, %while3A_74 : i32
        %while3A_77 = arith.addi %while3A_70, %while3A_76 : i32
        %while3A_78 = arith.constant 1 : i32
        %while3A_79 = scf.for %while3A_82 = %while3A_70 to %while3A_77 step %while3A_78 iter_args(%while3A_83 = %broadcast_in_dim3A_69) -> (vector<16xi1>)  : i32 {
          %mul3A_84 = arith.constant 16 : i32
          %mul3A_85 = arith.muli %while3A_82, %mul3A_84 : i32
          %get3A = arith.index_cast %mul3A_85 : i32 to index
          %get3A_86 = tpu.vector_load %arg7[%get3A] {strides = array<i32>} : memref<16384xi32, #tpu.memory_space<vmem>>, vector<16xi32>,
          %shift_right_arithmetic3A = arith.constant 15 : i32
          %shift_right_arithmetic3A_87 = vector.broadcast %shift_right_arithmetic3A : i32 to vector<16xi32>
          %shift_right_arithmetic3A_88 = arith.shrsi %get3A_86, %shift_right_arithmetic3A_87 : vector<16xi32>
          %eq3A = arith.cmpi eq, %shift_right_arithmetic3A_88, %broadcast_in_dim3A : vector<16xi32>
          %and3A = arith.constant 32767 : i32
          %and3A_89 = vector.broadcast %and3A : i32 to vector<16xi32>
          %and3A_90 = arith.andi %get3A_86, %and3A_89 : vector<16xi32>
          %mul3A_91 = arith.constant 16 : i32
          %mul3A_92 = arith.muli %while3A_82, %mul3A_91 : i32
          %add3A_93 = arith.constant 81921 : i32
          %add3A_94 = arith.addi %add3A_93, %mul3A_92 : i32
          %add3A_95 = vector.broadcast %add3A_94 : i32 to vector<16xi32>
          %add3A_96 = arith.addi %add3A_95, %iota3A : vector<16xi32>
          %gather3A = tpu.vector_load_idx %arg6[%and3A_90] masked %eq3A : memref<32768xi32, #tpu.memory_space<vmem>>[vector<16xi32>], vector<16xi32>, vector<16xi1>
          %gt3A = arith.cmpi sgt, %add3A_96, %gather3A : vector<16xi32>
          %and3A_97 = arith.andi %eq3A, %gt3A : vector<16xi1>
          tpu.vector_store_idx %arg6[%and3A_90], %add3A_96 masked %and3A_97 : memref<32768xi32, #tpu.memory_space<vmem>>[vector<16xi32>], vector<16xi32>, vector<16xi1>
          %gather3A_98 = tpu.vector_load_idx %arg6[%and3A_90] masked %and3A_97 : memref<32768xi32, #tpu.memory_space<vmem>>[vector<16xi32>], vector<16xi32>, vector<16xi1>
          %gt3A_99 = arith.cmpi sgt, %add3A_96, %gather3A_98 : vector<16xi32>
          %and3A_100 = arith.andi %and3A_97, %gt3A_99 : vector<16xi1>
          %or3A = arith.ori %while3A_83, %and3A_100 : vector<16xi1>
          scf.yield %or3A : vector<16xi1>
        }
        %while3A_80 = arith.constant 1 : i32
        %while3A_81 = scf.for %while3A_82 = %while3A_77 to %while3A_73 step %while3A_80 iter_args(%while3A_83 = %while3A_79) -> (vector<16xi1>)  : i32 {
          %mul3A_84 = arith.constant 16 : i32
          %mul3A_85 = arith.muli %while3A_82, %mul3A_84 : i32
          %get3A = arith.index_cast %mul3A_85 : i32 to index
          %get3A_86 = tpu.vector_load %arg7[%get3A] {strides = array<i32>} : memref<16384xi32, #tpu.memory_space<vmem>>, vector<16xi32>,
          %shift_right_arithmetic3A = arith.constant 15 : i32
          %shift_right_arithmetic3A_87 = vector.broadcast %shift_right_arithmetic3A : i32 to vector<16xi32>
          %shift_right_arithmetic3A_88 = arith.shrsi %get3A_86, %shift_right_arithmetic3A_87 : vector<16xi32>
          %eq3A = arith.cmpi eq, %shift_right_arithmetic3A_88, %broadcast_in_dim3A : vector<16xi32>
          %and3A = arith.constant 32767 : i32
          %and3A_89 = vector.broadcast %and3A : i32 to vector<16xi32>
          %and3A_90 = arith.andi %get3A_86, %and3A_89 : vector<16xi32>
          %mul3A_91 = arith.constant 16 : i32
          %mul3A_92 = arith.muli %while3A_82, %mul3A_91 : i32
          %add3A_93 = arith.constant 81921 : i32
          %add3A_94 = arith.addi %add3A_93, %mul3A_92 : i32
          %add3A_95 = vector.broadcast %add3A_94 : i32 to vector<16xi32>
          %add3A_96 = arith.addi %add3A_95, %iota3A : vector<16xi32>
          %gather3A = tpu.vector_load_idx %arg6[%and3A_90] masked %eq3A : memref<32768xi32, #tpu.memory_space<vmem>>[vector<16xi32>], vector<16xi32>, vector<16xi1>
          %gt3A = arith.cmpi sgt, %add3A_96, %gather3A : vector<16xi32>
          %and3A_97 = arith.andi %eq3A, %gt3A : vector<16xi1>
          tpu.vector_store_idx %arg6[%and3A_90], %add3A_96 masked %and3A_97 : memref<32768xi32, #tpu.memory_space<vmem>>[vector<16xi32>], vector<16xi32>, vector<16xi1>
          %gather3A_98 = tpu.vector_load_idx %arg6[%and3A_90] masked %and3A_97 : memref<32768xi32, #tpu.memory_space<vmem>>[vector<16xi32>], vector<16xi32>, vector<16xi1>
          %gt3A_99 = arith.cmpi sgt, %add3A_96, %gather3A_98 : vector<16xi32>
          %and3A_100 = arith.andi %and3A_97, %gt3A_99 : vector<16xi1>
          %or3A = arith.ori %while3A_83, %and3A_100 : vector<16xi1>
          scf.yield %or3A : vector<16xi1>
        }
        %all_reduce_population_count3A = tpu.all_reduce %while3A_81 {dim = 0 : i64, kind = #tpu.reduction_kind<sum>} : vector<16xi1> -> vector<16xi32>
        %slice3A = vector.extract_strided_slice %all_reduce_population_count3A {offsets = [0], sizes = [1], strides = [1]} : vector<16xi32> to vector<1xi32>
        %squeeze3A = vector.extract %slice3A[0] : i32 from vector<1xi32>
        scf.yield %squeeze3A : i32
      }
      "tpu.region"() ({
        %run_scoped3A = tpu.sem_alloc : memref<!tpu.dma_semaphore, #tpu.memory_space<semaphore_mem>>
        %dma_start3A_67 = arith.constant 98304 : i32
        %dma_start3A_68 = tpu.memref_slice %arg2[%dma_start3A_67] : memref<131072xi32, #tpu.memory_space<hbm>> -> memref<16384xi32, #tpu.memory_space<hbm>>
        %dma_start3A_69 = arith.constant 98304 : i32
        %dma_start3A_70 = tpu.memref_slice %arg2[%dma_start3A_69] : memref<131072xi32, #tpu.memory_space<hbm>> -> memref<16384xi32, #tpu.memory_space<hbm>>
        tpu.enqueue_dma source(%dma_start3A_70 : memref<16384xi32, #tpu.memory_space<hbm>>) target(%arg7 : memref<16384xi32, #tpu.memory_space<vmem>>) target_semaphore(%run_scoped3A : memref<!tpu.dma_semaphore, #tpu.memory_space<semaphore_mem>>)
        %dma_wait3A_71 = arith.constant 98304 : i32
        %dma_wait3A_72 = tpu.memref_slice %arg2[%dma_wait3A_71] : memref<131072xi32, #tpu.memory_space<hbm>> -> memref<16384xi32, #tpu.memory_space<hbm>>
        %dma_wait3A_73 = arith.constant 98304 : i32
        %dma_wait3A_74 = tpu.memref_slice %arg2[%dma_wait3A_73] : memref<131072xi32, #tpu.memory_space<hbm>> -> memref<16384xi32, #tpu.memory_space<hbm>>
        tpu.wait_dma2 semaphore(%run_scoped3A : memref<!tpu.dma_semaphore, #tpu.memory_space<semaphore_mem>>) src(%dma_wait3A_74 : memref<16384xi32, #tpu.memory_space<hbm>>) dst(%arg7 : memref<16384xi32, #tpu.memory_space<vmem>>)
        tpu.yield
      }) : () -> ()
      %while3A_40 = arith.constant 1 : i32
      %while3A_41 = scf.while (%while3A_67 = %while3A_40) : (i32) -> i32 {
        %gt3A = arith.constant 0 : i32
        %gt3A_68 = arith.cmpi sgt, %while3A_67, %gt3A : i32
        scf.condition(%gt3A_68) %while3A_67 : i32
      } do {
      ^bb0(%while3A_67: i32):
        %broadcast_in_dim3A_68 = arith.constant false
        %broadcast_in_dim3A_69 = vector.broadcast %broadcast_in_dim3A_68 : i1 to vector<16xi1>
        %while3A_70 = arith.constant 0 : i32
        %while3A_71 = arith.constant 1024 : i32
        %while3A_72 = arith.subi %while3A_71, %while3A_70 : i32
        %while3A_73 = arith.addi %while3A_70, %while3A_72 : i32
        %while3A_74 = arith.constant 1 : i32
        %while3A_75 = arith.divsi %while3A_72, %while3A_74 : i32
        %while3A_76 = arith.muli %while3A_75, %while3A_74 : i32
        %while3A_77 = arith.addi %while3A_70, %while3A_76 : i32
        %while3A_78 = arith.constant 1 : i32
        %while3A_79 = scf.for %while3A_82 = %while3A_70 to %while3A_77 step %while3A_78 iter_args(%while3A_83 = %broadcast_in_dim3A_69) -> (vector<16xi1>)  : i32 {
          %mul3A_84 = arith.constant 16 : i32
          %mul3A_85 = arith.muli %while3A_82, %mul3A_84 : i32
          %get3A = arith.index_cast %mul3A_85 : i32 to index
          %get3A_86 = tpu.vector_load %arg7[%get3A] {strides = array<i32>} : memref<16384xi32, #tpu.memory_space<vmem>>, vector<16xi32>,
          %shift_right_arithmetic3A = arith.constant 15 : i32
          %shift_right_arithmetic3A_87 = vector.broadcast %shift_right_arithmetic3A : i32 to vector<16xi32>
          %shift_right_arithmetic3A_88 = arith.shrsi %get3A_86, %shift_right_arithmetic3A_87 : vector<16xi32>
          %eq3A = arith.cmpi eq, %shift_right_arithmetic3A_88, %broadcast_in_dim3A : vector<16xi32>
          %and3A = arith.constant 32767 : i32
          %and3A_89 = vector.broadcast %and3A : i32 to vector<16xi32>
          %and3A_90 = arith.andi %get3A_86, %and3A_89 : vector<16xi32>
          %mul3A_91 = arith.constant 16 : i32
          %mul3A_92 = arith.muli %while3A_82, %mul3A_91 : i32
          %add3A_93 = arith.constant 98305 : i32
          %add3A_94 = arith.addi %add3A_93, %mul3A_92 : i32
          %add3A_95 = vector.broadcast %add3A_94 : i32 to vector<16xi32>
          %add3A_96 = arith.addi %add3A_95, %iota3A : vector<16xi32>
          %gather3A = tpu.vector_load_idx %arg6[%and3A_90] masked %eq3A : memref<32768xi32, #tpu.memory_space<vmem>>[vector<16xi32>], vector<16xi32>, vector<16xi1>
          %gt3A = arith.cmpi sgt, %add3A_96, %gather3A : vector<16xi32>
          %and3A_97 = arith.andi %eq3A, %gt3A : vector<16xi1>
          tpu.vector_store_idx %arg6[%and3A_90], %add3A_96 masked %and3A_97 : memref<32768xi32, #tpu.memory_space<vmem>>[vector<16xi32>], vector<16xi32>, vector<16xi1>
          %gather3A_98 = tpu.vector_load_idx %arg6[%and3A_90] masked %and3A_97 : memref<32768xi32, #tpu.memory_space<vmem>>[vector<16xi32>], vector<16xi32>, vector<16xi1>
          %gt3A_99 = arith.cmpi sgt, %add3A_96, %gather3A_98 : vector<16xi32>
          %and3A_100 = arith.andi %and3A_97, %gt3A_99 : vector<16xi1>
          %or3A = arith.ori %while3A_83, %and3A_100 : vector<16xi1>
          scf.yield %or3A : vector<16xi1>
        }
        %while3A_80 = arith.constant 1 : i32
        %while3A_81 = scf.for %while3A_82 = %while3A_77 to %while3A_73 step %while3A_80 iter_args(%while3A_83 = %while3A_79) -> (vector<16xi1>)  : i32 {
          %mul3A_84 = arith.constant 16 : i32
          %mul3A_85 = arith.muli %while3A_82, %mul3A_84 : i32
          %get3A = arith.index_cast %mul3A_85 : i32 to index
          %get3A_86 = tpu.vector_load %arg7[%get3A] {strides = array<i32>} : memref<16384xi32, #tpu.memory_space<vmem>>, vector<16xi32>,
          %shift_right_arithmetic3A = arith.constant 15 : i32
          %shift_right_arithmetic3A_87 = vector.broadcast %shift_right_arithmetic3A : i32 to vector<16xi32>
          %shift_right_arithmetic3A_88 = arith.shrsi %get3A_86, %shift_right_arithmetic3A_87 : vector<16xi32>
          %eq3A = arith.cmpi eq, %shift_right_arithmetic3A_88, %broadcast_in_dim3A : vector<16xi32>
          %and3A = arith.constant 32767 : i32
          %and3A_89 = vector.broadcast %and3A : i32 to vector<16xi32>
          %and3A_90 = arith.andi %get3A_86, %and3A_89 : vector<16xi32>
          %mul3A_91 = arith.constant 16 : i32
          %mul3A_92 = arith.muli %while3A_82, %mul3A_91 : i32
          %add3A_93 = arith.constant 98305 : i32
          %add3A_94 = arith.addi %add3A_93, %mul3A_92 : i32
          %add3A_95 = vector.broadcast %add3A_94 : i32 to vector<16xi32>
          %add3A_96 = arith.addi %add3A_95, %iota3A : vector<16xi32>
          %gather3A = tpu.vector_load_idx %arg6[%and3A_90] masked %eq3A : memref<32768xi32, #tpu.memory_space<vmem>>[vector<16xi32>], vector<16xi32>, vector<16xi1>
          %gt3A = arith.cmpi sgt, %add3A_96, %gather3A : vector<16xi32>
          %and3A_97 = arith.andi %eq3A, %gt3A : vector<16xi1>
          tpu.vector_store_idx %arg6[%and3A_90], %add3A_96 masked %and3A_97 : memref<32768xi32, #tpu.memory_space<vmem>>[vector<16xi32>], vector<16xi32>, vector<16xi1>
          %gather3A_98 = tpu.vector_load_idx %arg6[%and3A_90] masked %and3A_97 : memref<32768xi32, #tpu.memory_space<vmem>>[vector<16xi32>], vector<16xi32>, vector<16xi1>
          %gt3A_99 = arith.cmpi sgt, %add3A_96, %gather3A_98 : vector<16xi32>
          %and3A_100 = arith.andi %and3A_97, %gt3A_99 : vector<16xi1>
          %or3A = arith.ori %while3A_83, %and3A_100 : vector<16xi1>
          scf.yield %or3A : vector<16xi1>
        }
        %all_reduce_population_count3A = tpu.all_reduce %while3A_81 {dim = 0 : i64, kind = #tpu.reduction_kind<sum>} : vector<16xi1> -> vector<16xi32>
        %slice3A = vector.extract_strided_slice %all_reduce_population_count3A {offsets = [0], sizes = [1], strides = [1]} : vector<16xi32> to vector<1xi32>
        %squeeze3A = vector.extract %slice3A[0] : i32 from vector<1xi32>
        scf.yield %squeeze3A : i32
      }
      "tpu.region"() ({
        %run_scoped3A = tpu.sem_alloc : memref<!tpu.dma_semaphore, #tpu.memory_space<semaphore_mem>>
        %dma_start3A_67 = arith.constant 114688 : i32
        %dma_start3A_68 = tpu.memref_slice %arg2[%dma_start3A_67] : memref<131072xi32, #tpu.memory_space<hbm>> -> memref<16384xi32, #tpu.memory_space<hbm>>
        %dma_start3A_69 = arith.constant 114688 : i32
        %dma_start3A_70 = tpu.memref_slice %arg2[%dma_start3A_69] : memref<131072xi32, #tpu.memory_space<hbm>> -> memref<16384xi32, #tpu.memory_space<hbm>>
        tpu.enqueue_dma source(%dma_start3A_70 : memref<16384xi32, #tpu.memory_space<hbm>>) target(%arg7 : memref<16384xi32, #tpu.memory_space<vmem>>) target_semaphore(%run_scoped3A : memref<!tpu.dma_semaphore, #tpu.memory_space<semaphore_mem>>)
        %dma_wait3A_71 = arith.constant 114688 : i32
        %dma_wait3A_72 = tpu.memref_slice %arg2[%dma_wait3A_71] : memref<131072xi32, #tpu.memory_space<hbm>> -> memref<16384xi32, #tpu.memory_space<hbm>>
        %dma_wait3A_73 = arith.constant 114688 : i32
        %dma_wait3A_74 = tpu.memref_slice %arg2[%dma_wait3A_73] : memref<131072xi32, #tpu.memory_space<hbm>> -> memref<16384xi32, #tpu.memory_space<hbm>>
        tpu.wait_dma2 semaphore(%run_scoped3A : memref<!tpu.dma_semaphore, #tpu.memory_space<semaphore_mem>>) src(%dma_wait3A_74 : memref<16384xi32, #tpu.memory_space<hbm>>) dst(%arg7 : memref<16384xi32, #tpu.memory_space<vmem>>)
        tpu.yield
      }) : () -> ()
      %while3A_42 = arith.constant 1 : i32
      %while3A_43 = scf.while (%while3A_67 = %while3A_42) : (i32) -> i32 {
        %gt3A = arith.constant 0 : i32
        %gt3A_68 = arith.cmpi sgt, %while3A_67, %gt3A : i32
        scf.condition(%gt3A_68) %while3A_67 : i32
      } do {
      ^bb0(%while3A_67: i32):
        %broadcast_in_dim3A_68 = arith.constant false
        %broadcast_in_dim3A_69 = vector.broadcast %broadcast_in_dim3A_68 : i1 to vector<16xi1>
        %while3A_70 = arith.constant 0 : i32
        %while3A_71 = arith.constant 1024 : i32
        %while3A_72 = arith.subi %while3A_71, %while3A_70 : i32
        %while3A_73 = arith.addi %while3A_70, %while3A_72 : i32
        %while3A_74 = arith.constant 1 : i32
        %while3A_75 = arith.divsi %while3A_72, %while3A_74 : i32
        %while3A_76 = arith.muli %while3A_75, %while3A_74 : i32
        %while3A_77 = arith.addi %while3A_70, %while3A_76 : i32
        %while3A_78 = arith.constant 1 : i32
        %while3A_79 = scf.for %while3A_82 = %while3A_70 to %while3A_77 step %while3A_78 iter_args(%while3A_83 = %broadcast_in_dim3A_69) -> (vector<16xi1>)  : i32 {
          %mul3A_84 = arith.constant 16 : i32
          %mul3A_85 = arith.muli %while3A_82, %mul3A_84 : i32
          %get3A = arith.index_cast %mul3A_85 : i32 to index
          %get3A_86 = tpu.vector_load %arg7[%get3A] {strides = array<i32>} : memref<16384xi32, #tpu.memory_space<vmem>>, vector<16xi32>,
          %shift_right_arithmetic3A = arith.constant 15 : i32
          %shift_right_arithmetic3A_87 = vector.broadcast %shift_right_arithmetic3A : i32 to vector<16xi32>
          %shift_right_arithmetic3A_88 = arith.shrsi %get3A_86, %shift_right_arithmetic3A_87 : vector<16xi32>
          %eq3A = arith.cmpi eq, %shift_right_arithmetic3A_88, %broadcast_in_dim3A : vector<16xi32>
          %and3A = arith.constant 32767 : i32
          %and3A_89 = vector.broadcast %and3A : i32 to vector<16xi32>
          %and3A_90 = arith.andi %get3A_86, %and3A_89 : vector<16xi32>
          %mul3A_91 = arith.constant 16 : i32
          %mul3A_92 = arith.muli %while3A_82, %mul3A_91 : i32
          %add3A_93 = arith.constant 114689 : i32
          %add3A_94 = arith.addi %add3A_93, %mul3A_92 : i32
          %add3A_95 = vector.broadcast %add3A_94 : i32 to vector<16xi32>
          %add3A_96 = arith.addi %add3A_95, %iota3A : vector<16xi32>
          %gather3A = tpu.vector_load_idx %arg6[%and3A_90] masked %eq3A : memref<32768xi32, #tpu.memory_space<vmem>>[vector<16xi32>], vector<16xi32>, vector<16xi1>
          %gt3A = arith.cmpi sgt, %add3A_96, %gather3A : vector<16xi32>
          %and3A_97 = arith.andi %eq3A, %gt3A : vector<16xi1>
          tpu.vector_store_idx %arg6[%and3A_90], %add3A_96 masked %and3A_97 : memref<32768xi32, #tpu.memory_space<vmem>>[vector<16xi32>], vector<16xi32>, vector<16xi1>
          %gather3A_98 = tpu.vector_load_idx %arg6[%and3A_90] masked %and3A_97 : memref<32768xi32, #tpu.memory_space<vmem>>[vector<16xi32>], vector<16xi32>, vector<16xi1>
          %gt3A_99 = arith.cmpi sgt, %add3A_96, %gather3A_98 : vector<16xi32>
          %and3A_100 = arith.andi %and3A_97, %gt3A_99 : vector<16xi1>
          %or3A = arith.ori %while3A_83, %and3A_100 : vector<16xi1>
          scf.yield %or3A : vector<16xi1>
        }
        %while3A_80 = arith.constant 1 : i32
        %while3A_81 = scf.for %while3A_82 = %while3A_77 to %while3A_73 step %while3A_80 iter_args(%while3A_83 = %while3A_79) -> (vector<16xi1>)  : i32 {
          %mul3A_84 = arith.constant 16 : i32
          %mul3A_85 = arith.muli %while3A_82, %mul3A_84 : i32
          %get3A = arith.index_cast %mul3A_85 : i32 to index
          %get3A_86 = tpu.vector_load %arg7[%get3A] {strides = array<i32>} : memref<16384xi32, #tpu.memory_space<vmem>>, vector<16xi32>,
          %shift_right_arithmetic3A = arith.constant 15 : i32
          %shift_right_arithmetic3A_87 = vector.broadcast %shift_right_arithmetic3A : i32 to vector<16xi32>
          %shift_right_arithmetic3A_88 = arith.shrsi %get3A_86, %shift_right_arithmetic3A_87 : vector<16xi32>
          %eq3A = arith.cmpi eq, %shift_right_arithmetic3A_88, %broadcast_in_dim3A : vector<16xi32>
          %and3A = arith.constant 32767 : i32
          %and3A_89 = vector.broadcast %and3A : i32 to vector<16xi32>
          %and3A_90 = arith.andi %get3A_86, %and3A_89 : vector<16xi32>
          %mul3A_91 = arith.constant 16 : i32
          %mul3A_92 = arith.muli %while3A_82, %mul3A_91 : i32
          %add3A_93 = arith.constant 114689 : i32
          %add3A_94 = arith.addi %add3A_93, %mul3A_92 : i32
          %add3A_95 = vector.broadcast %add3A_94 : i32 to vector<16xi32>
          %add3A_96 = arith.addi %add3A_95, %iota3A : vector<16xi32>
          %gather3A = tpu.vector_load_idx %arg6[%and3A_90] masked %eq3A : memref<32768xi32, #tpu.memory_space<vmem>>[vector<16xi32>], vector<16xi32>, vector<16xi1>
          %gt3A = arith.cmpi sgt, %add3A_96, %gather3A : vector<16xi32>
          %and3A_97 = arith.andi %eq3A, %gt3A : vector<16xi1>
          tpu.vector_store_idx %arg6[%and3A_90], %add3A_96 masked %and3A_97 : memref<32768xi32, #tpu.memory_space<vmem>>[vector<16xi32>], vector<16xi32>, vector<16xi1>
          %gather3A_98 = tpu.vector_load_idx %arg6[%and3A_90] masked %and3A_97 : memref<32768xi32, #tpu.memory_space<vmem>>[vector<16xi32>], vector<16xi32>, vector<16xi1>
          %gt3A_99 = arith.cmpi sgt, %add3A_96, %gather3A_98 : vector<16xi32>
          %and3A_100 = arith.andi %and3A_97, %gt3A_99 : vector<16xi1>
          %or3A = arith.ori %while3A_83, %and3A_100 : vector<16xi1>
          scf.yield %or3A : vector<16xi1>
        }
        %all_reduce_population_count3A = tpu.all_reduce %while3A_81 {dim = 0 : i64, kind = #tpu.reduction_kind<sum>} : vector<16xi1> -> vector<16xi32>
        %slice3A = vector.extract_strided_slice %all_reduce_population_count3A {offsets = [0], sizes = [1], strides = [1]} : vector<16xi32> to vector<1xi32>
        %squeeze3A = vector.extract %slice3A[0] : i32 from vector<1xi32>
        scf.yield %squeeze3A : i32
      }
      %while3A_44 = arith.constant 0 : i32
      %while3A_45 = arith.constant 2048 : i32
      %while3A_46 = arith.constant 0 : i32
      %while3A_47 = arith.subi %while3A_45, %while3A_44 : i32
      %while3A_48 = arith.addi %while3A_44, %while3A_47 : i32
      %while3A_49 = arith.constant 1 : i32
      %while3A_50 = arith.divsi %while3A_47, %while3A_49 : i32
      %while3A_51 = arith.muli %while3A_50, %while3A_49 : i32
      %while3A_52 = arith.addi %while3A_44, %while3A_51 : i32
      %while3A_53 = arith.constant 1 : i32
      %while3A_54 = scf.for %while3A_67 = %while3A_44 to %while3A_52 step %while3A_53 iter_args(%while3A_68 = %while3A_46) -> (i32)  : i32 {
        %mul3A_69 = arith.constant 16 : i32
        %mul3A_70 = arith.muli %while3A_67, %mul3A_69 : i32
        %get3A = arith.index_cast %mul3A_70 : i32 to index
        %get3A_71 = tpu.vector_load %arg6[%get3A] {strides = array<i32>} : memref<32768xi32, #tpu.memory_space<vmem>>, vector<16xi32>,
        %gt3A = arith.constant 0 : i32
        %gt3A_72 = vector.broadcast %gt3A : i32 to vector<16xi32>
        %gt3A_73 = arith.cmpi sgt, %get3A_71, %gt3A_72 : vector<16xi32>
        %all_reduce_population_count3A = tpu.all_reduce %gt3A_73 {dim = 0 : i64, kind = #tpu.reduction_kind<sum>} : vector<16xi1> -> vector<16xi32>
        %slice3A = vector.extract_strided_slice %all_reduce_population_count3A {offsets = [0], sizes = [1], strides = [1]} : vector<16xi32> to vector<1xi32>
        %squeeze3A = vector.extract %slice3A[0] : i32 from vector<1xi32>
        %sub3A = arith.constant 1 : i32
        %sub3A_74 = vector.broadcast %sub3A : i32 to vector<16xi32>
        %sub3A_75 = arith.subi %get3A_71, %sub3A_74 : vector<16xi32>
        %swap3A = arith.index_cast %while3A_68 : i32 to index
        %swap3A_76 = tpu.vector_load %arg8[%swap3A] masked %gt3A_73 {strides = array<i32>} : memref<128xi32, #tpu.memory_space<vmem>>, vector<16xi32>, vector<16xi1>
        tpu.vector_store %arg8[%swap3A], %sub3A_75 masked %gt3A_73 {strides = array<i32>} : memref<128xi32, #tpu.memory_space<vmem>>, vector<16xi32>, vector<16xi1>
        %mul3A_77 = arith.constant 16 : i32
        %mul3A_78 = arith.muli %while3A_67, %mul3A_77 : i32
        %add3A_79 = arith.addi %mul3A_4, %mul3A_78 : i32
        %add3A_80 = vector.broadcast %add3A_79 : i32 to vector<16xi32>
        %add3A_81 = arith.addi %add3A_80, %iota3A : vector<16xi32>
        %swap3A_82 = arith.index_cast %while3A_68 : i32 to index
        %swap3A_83 = tpu.vector_load %arg9[%swap3A_82] masked %gt3A_73 {strides = array<i32>} : memref<128xi32, #tpu.memory_space<vmem>>, vector<16xi32>, vector<16xi1>
        tpu.vector_store %arg9[%swap3A_82], %add3A_81 masked %gt3A_73 {strides = array<i32>} : memref<128xi32, #tpu.memory_space<vmem>>, vector<16xi32>, vector<16xi1>
        %add3A_84 = arith.addi %while3A_68, %squeeze3A : i32
        %ge3A = arith.constant 112 : i32
        %ge3A_85 = arith.cmpi sge, %add3A_84, %ge3A : i32
        %convert_element_type3A_86 = arith.extui %ge3A_85 : i1 to i32
        %cond3A_87 = arith.constant 0 : i32
        %cond3A_88 = arith.cmpi ne, %convert_element_type3A_86, %cond3A_87 : i32
        %cond3A_89 = scf.if %cond3A_88 -> (i32) {
          %dma_start3A_90 = arith.constant 0 : i32
          %dma_start3A_91 = arith.constant 0 : i32
          %dma_start3A_92 = tpu.memref_slice %arg3[%dma_start3A_90, %dma_start3A_91] : memref<131072x128xf32, #tpu.memory_space<hbm>> -> memref<131072x128xf32, #tpu.memory_space<hbm>>
          tpu.enqueue_indirect_dma source(%dma_start3A_92 : memref<131072x128xf32, #tpu.memory_space<hbm>>) target(%arg10 : memref<128x128xf32, #tpu.memory_space<vmem>>) offsets(%arg8 : memref<128xi32, #tpu.memory_space<vmem>>) semaphore(%arg11 : memref<!tpu.dma_semaphore, #tpu.memory_space<semaphore_mem>>)
          %dma_wait3A_93 = arith.constant 0 : i32
          %dma_wait3A_94 = arith.constant 0 : i32
          %dma_wait3A_95 = tpu.memref_slice %arg3[%dma_wait3A_93, %dma_wait3A_94] : memref<131072x128xf32, #tpu.memory_space<hbm>> -> memref<131072x128xf32, #tpu.memory_space<hbm>>
          tpu.wait_indirect_dma semaphore(%arg11 : memref<!tpu.dma_semaphore, #tpu.memory_space<semaphore_mem>>) src(%dma_wait3A_95 : memref<131072x128xf32, #tpu.memory_space<hbm>>) dst(%arg10 : memref<128x128xf32, #tpu.memory_space<vmem>>)
          %dma_start3A_96 = arith.constant 0 : i32
          %dma_start3A_97 = arith.constant 0 : i32
          %dma_start3A_98 = tpu.memref_slice %arg4[%dma_start3A_96, %dma_start3A_97] : memref<1002000x128xf32, #tpu.memory_space<hbm>> -> memref<1002000x128xf32, #tpu.memory_space<hbm>>
          tpu.enqueue_indirect_dma source(%arg10 : memref<128x128xf32, #tpu.memory_space<vmem>>) target(%dma_start3A_98 : memref<1002000x128xf32, #tpu.memory_space<hbm>>) offsets(%arg9 : memref<128xi32, #tpu.memory_space<vmem>>) semaphore(%arg12 : memref<!tpu.dma_semaphore, #tpu.memory_space<semaphore_mem>>)
          %dma_wait3A_99 = arith.constant 0 : i32
          %dma_wait3A_100 = arith.constant 0 : i32
          %dma_wait3A_101 = tpu.memref_slice %arg4[%dma_wait3A_99, %dma_wait3A_100] : memref<1002000x128xf32, #tpu.memory_space<hbm>> -> memref<1002000x128xf32, #tpu.memory_space<hbm>>
          tpu.wait_indirect_dma semaphore(%arg12 : memref<!tpu.dma_semaphore, #tpu.memory_space<semaphore_mem>>) src(%arg10 : memref<128x128xf32, #tpu.memory_space<vmem>>) dst(%dma_wait3A_101 : memref<1002000x128xf32, #tpu.memory_space<hbm>>)
          %cond3A_102 = arith.constant 0 : i32
          scf.yield %cond3A_102 : i32
        } else {
          scf.yield %add3A_84 : i32
        }
        scf.yield %cond3A_89 : i32
      }
      %while3A_55 = arith.constant 1 : i32
      %while3A_56 = scf.for %while3A_67 = %while3A_52 to %while3A_48 step %while3A_55 iter_args(%while3A_68 = %while3A_54) -> (i32)  : i32 {
        %mul3A_69 = arith.constant 16 : i32
        %mul3A_70 = arith.muli %while3A_67, %mul3A_69 : i32
        %get3A = arith.index_cast %mul3A_70 : i32 to index
        %get3A_71 = tpu.vector_load %arg6[%get3A] {strides = array<i32>} : memref<32768xi32, #tpu.memory_space<vmem>>, vector<16xi32>,
        %gt3A = arith.constant 0 : i32
        %gt3A_72 = vector.broadcast %gt3A : i32 to vector<16xi32>
        %gt3A_73 = arith.cmpi sgt, %get3A_71, %gt3A_72 : vector<16xi32>
        %all_reduce_population_count3A = tpu.all_reduce %gt3A_73 {dim = 0 : i64, kind = #tpu.reduction_kind<sum>} : vector<16xi1> -> vector<16xi32>
        %slice3A = vector.extract_strided_slice %all_reduce_population_count3A {offsets = [0], sizes = [1], strides = [1]} : vector<16xi32> to vector<1xi32>
        %squeeze3A = vector.extract %slice3A[0] : i32 from vector<1xi32>
        %sub3A = arith.constant 1 : i32
        %sub3A_74 = vector.broadcast %sub3A : i32 to vector<16xi32>
        %sub3A_75 = arith.subi %get3A_71, %sub3A_74 : vector<16xi32>
        %swap3A = arith.index_cast %while3A_68 : i32 to index
        %swap3A_76 = tpu.vector_load %arg8[%swap3A] masked %gt3A_73 {strides = array<i32>} : memref<128xi32, #tpu.memory_space<vmem>>, vector<16xi32>, vector<16xi1>
        tpu.vector_store %arg8[%swap3A], %sub3A_75 masked %gt3A_73 {strides = array<i32>} : memref<128xi32, #tpu.memory_space<vmem>>, vector<16xi32>, vector<16xi1>
        %mul3A_77 = arith.constant 16 : i32
        %mul3A_78 = arith.muli %while3A_67, %mul3A_77 : i32
        %add3A_79 = arith.addi %mul3A_4, %mul3A_78 : i32
        %add3A_80 = vector.broadcast %add3A_79 : i32 to vector<16xi32>
        %add3A_81 = arith.addi %add3A_80, %iota3A : vector<16xi32>
        %swap3A_82 = arith.index_cast %while3A_68 : i32 to index
        %swap3A_83 = tpu.vector_load %arg9[%swap3A_82] masked %gt3A_73 {strides = array<i32>} : memref<128xi32, #tpu.memory_space<vmem>>, vector<16xi32>, vector<16xi1>
        tpu.vector_store %arg9[%swap3A_82], %add3A_81 masked %gt3A_73 {strides = array<i32>} : memref<128xi32, #tpu.memory_space<vmem>>, vector<16xi32>, vector<16xi1>
        %add3A_84 = arith.addi %while3A_68, %squeeze3A : i32
        %ge3A = arith.constant 112 : i32
        %ge3A_85 = arith.cmpi sge, %add3A_84, %ge3A : i32
        %convert_element_type3A_86 = arith.extui %ge3A_85 : i1 to i32
        %cond3A_87 = arith.constant 0 : i32
        %cond3A_88 = arith.cmpi ne, %convert_element_type3A_86, %cond3A_87 : i32
        %cond3A_89 = scf.if %cond3A_88 -> (i32) {
          %dma_start3A_90 = arith.constant 0 : i32
          %dma_start3A_91 = arith.constant 0 : i32
          %dma_start3A_92 = tpu.memref_slice %arg3[%dma_start3A_90, %dma_start3A_91] : memref<131072x128xf32, #tpu.memory_space<hbm>> -> memref<131072x128xf32, #tpu.memory_space<hbm>>
          tpu.enqueue_indirect_dma source(%dma_start3A_92 : memref<131072x128xf32, #tpu.memory_space<hbm>>) target(%arg10 : memref<128x128xf32, #tpu.memory_space<vmem>>) offsets(%arg8 : memref<128xi32, #tpu.memory_space<vmem>>) semaphore(%arg11 : memref<!tpu.dma_semaphore, #tpu.memory_space<semaphore_mem>>)
          %dma_wait3A_93 = arith.constant 0 : i32
          %dma_wait3A_94 = arith.constant 0 : i32
          %dma_wait3A_95 = tpu.memref_slice %arg3[%dma_wait3A_93, %dma_wait3A_94] : memref<131072x128xf32, #tpu.memory_space<hbm>> -> memref<131072x128xf32, #tpu.memory_space<hbm>>
          tpu.wait_indirect_dma semaphore(%arg11 : memref<!tpu.dma_semaphore, #tpu.memory_space<semaphore_mem>>) src(%dma_wait3A_95 : memref<131072x128xf32, #tpu.memory_space<hbm>>) dst(%arg10 : memref<128x128xf32, #tpu.memory_space<vmem>>)
          %dma_start3A_96 = arith.constant 0 : i32
          %dma_start3A_97 = arith.constant 0 : i32
          %dma_start3A_98 = tpu.memref_slice %arg4[%dma_start3A_96, %dma_start3A_97] : memref<1002000x128xf32, #tpu.memory_space<hbm>> -> memref<1002000x128xf32, #tpu.memory_space<hbm>>
          tpu.enqueue_indirect_dma source(%arg10 : memref<128x128xf32, #tpu.memory_space<vmem>>) target(%dma_start3A_98 : memref<1002000x128xf32, #tpu.memory_space<hbm>>) offsets(%arg9 : memref<128xi32, #tpu.memory_space<vmem>>) semaphore(%arg12 : memref<!tpu.dma_semaphore, #tpu.memory_space<semaphore_mem>>)
          %dma_wait3A_99 = arith.constant 0 : i32
          %dma_wait3A_100 = arith.constant 0 : i32
          %dma_wait3A_101 = tpu.memref_slice %arg4[%dma_wait3A_99, %dma_wait3A_100] : memref<1002000x128xf32, #tpu.memory_space<hbm>> -> memref<1002000x128xf32, #tpu.memory_space<hbm>>
          tpu.wait_indirect_dma semaphore(%arg12 : memref<!tpu.dma_semaphore, #tpu.memory_space<semaphore_mem>>) src(%arg10 : memref<128x128xf32, #tpu.memory_space<vmem>>) dst(%dma_wait3A_101 : memref<1002000x128xf32, #tpu.memory_space<hbm>>)
          %cond3A_102 = arith.constant 0 : i32
          scf.yield %cond3A_102 : i32
        } else {
          scf.yield %add3A_84 : i32
        }
        scf.yield %cond3A_89 : i32
      }
      %dma_start3A = arith.constant 0 : i32
      %dma_start3A_57 = arith.constant 0 : i32
      %dma_start3A_58 = tpu.memref_slice %arg3[%dma_start3A, %dma_start3A_57] : memref<131072x128xf32, #tpu.memory_space<hbm>> -> memref<131072x128xf32, #tpu.memory_space<hbm>>
      tpu.enqueue_indirect_dma source(%dma_start3A_58 : memref<131072x128xf32, #tpu.memory_space<hbm>>) target(%arg10 : memref<128x128xf32, #tpu.memory_space<vmem>>) offsets(%arg8 : memref<128xi32, #tpu.memory_space<vmem>>) semaphore(%arg11 : memref<!tpu.dma_semaphore, #tpu.memory_space<semaphore_mem>>)
      %dma_wait3A = arith.constant 0 : i32
      %dma_wait3A_59 = arith.constant 0 : i32
      %dma_wait3A_60 = tpu.memref_slice %arg3[%dma_wait3A, %dma_wait3A_59] : memref<131072x128xf32, #tpu.memory_space<hbm>> -> memref<131072x128xf32, #tpu.memory_space<hbm>>
      tpu.wait_indirect_dma semaphore(%arg11 : memref<!tpu.dma_semaphore, #tpu.memory_space<semaphore_mem>>) src(%dma_wait3A_60 : memref<131072x128xf32, #tpu.memory_space<hbm>>) dst(%arg10 : memref<128x128xf32, #tpu.memory_space<vmem>>)
      %dma_start3A_61 = arith.constant 0 : i32
      %dma_start3A_62 = arith.constant 0 : i32
      %dma_start3A_63 = tpu.memref_slice %arg4[%dma_start3A_61, %dma_start3A_62] : memref<1002000x128xf32, #tpu.memory_space<hbm>> -> memref<1002000x128xf32, #tpu.memory_space<hbm>>
      tpu.enqueue_indirect_dma source(%arg10 : memref<128x128xf32, #tpu.memory_space<vmem>>) target(%dma_start3A_63 : memref<1002000x128xf32, #tpu.memory_space<hbm>>) offsets(%arg9 : memref<128xi32, #tpu.memory_space<vmem>>) semaphore(%arg12 : memref<!tpu.dma_semaphore, #tpu.memory_space<semaphore_mem>>)
      %dma_wait3A_64 = arith.constant 0 : i32
      %dma_wait3A_65 = arith.constant 0 : i32
      %dma_wait3A_66 = tpu.memref_slice %arg4[%dma_wait3A_64, %dma_wait3A_65] : memref<1002000x128xf32, #tpu.memory_space<hbm>> -> memref<1002000x128xf32, #tpu.memory_space<hbm>>
      tpu.wait_indirect_dma semaphore(%arg12 : memref<!tpu.dma_semaphore, #tpu.memory_space<semaphore_mem>>) src(%arg10 : memref<128x128xf32, #tpu.memory_space<vmem>>) dst(%dma_wait3A_66 : memref<1002000x128xf32, #tpu.memory_space<hbm>>)
    } else {
    }
    return
  }
}

module attributes {stable_mosaic.version = 14 : i64} {
  func.func @_copy_body(%arg0: i32, %arg1: memref<3x8192xf32, #tpu.memory_space<vmem>>, %arg2: memref<4x8192xf32, #tpu.memory_space<vmem>>, %arg3: memref<3x8192xf32, #tpu.memory_space<vmem>>, %arg4: memref<1x8192xf32, #tpu.memory_space<vmem>>, %arg5: memref<3x8192xf32, #tpu.memory_space<vmem>>, %arg6: memref<32x8192xf32, #tpu.memory_space<vmem>>, %arg7: memref<8192x128xf32, #tpu.memory_space<vmem>>) attributes {dimension_semantics = [#tpu.dimension_semantics<arbitrary>], iteration_bounds = array<i64: 16>, scalar_prefetch = 0 : i64, scratch_operands = 0 : i64, tpu.core_type = #tpu.core_type<tc>, window_params = [{transform_indices = @transform_0, window_bounds = array<i64: 3, 8192>}, {transform_indices = @transform_1, window_bounds = array<i64: 4, 8192>}, {transform_indices = @transform_2, window_bounds = array<i64: 3, 8192>}, {transform_indices = @transform_3, window_bounds = array<i64: 1, 8192>}, {transform_indices = @transform_4, window_bounds = array<i64: 3, 8192>}, {transform_indices = @transform_5, window_bounds = array<i64: 32, 8192>}, {transform_indices = @transform_6, window_bounds = array<i64: 8192, 128>}]} {
    %get3A = arith.constant 0 : index
    %get3A_0 = arith.constant 0 : index
    %get3A_1 = vector.load %arg1[%get3A, %get3A_0] : memref<3x8192xf32, #tpu.memory_space<vmem>>, vector<3x8192xf32>
    %get3A_2 = arith.constant 0 : index
    %get3A_3 = arith.constant 0 : index
    %get3A_4 = vector.load %arg2[%get3A_2, %get3A_3] : memref<4x8192xf32, #tpu.memory_space<vmem>>, vector<4x8192xf32>
    %get3A_5 = arith.constant 0 : index
    %get3A_6 = arith.constant 0 : index
    %get3A_7 = vector.load %arg3[%get3A_5, %get3A_6] : memref<3x8192xf32, #tpu.memory_space<vmem>>, vector<3x8192xf32>
    %get3A_8 = arith.constant 0 : index
    %get3A_9 = arith.constant 0 : index
    %get3A_10 = vector.load %arg4[%get3A_8, %get3A_9] : memref<1x8192xf32, #tpu.memory_space<vmem>>, vector<1x8192xf32>
    %get3A_11 = arith.constant 0 : index
    %get3A_12 = arith.constant 0 : index
    %get3A_13 = vector.load %arg5[%get3A_11, %get3A_12] : memref<3x8192xf32, #tpu.memory_space<vmem>>, vector<3x8192xf32>
    %get3A_14 = arith.constant 0 : index
    %get3A_15 = arith.constant 0 : index
    %get3A_16 = vector.load %arg6[%get3A_14, %get3A_15] : memref<32x8192xf32, #tpu.memory_space<vmem>>, vector<32x8192xf32>
    %broadcast_in_dim3A = arith.constant 0.000000e+00 : f32
    %broadcast_in_dim3A_17 = vector.broadcast %broadcast_in_dim3A : f32 to vector<82x8192xf32>
    %concatenate3A = tpu.concatenate %get3A_1, %get3A_4, %get3A_7, %get3A_10, %get3A_13, %get3A_16, %broadcast_in_dim3A_17 in 0 : vector<3x8192xf32>, vector<4x8192xf32>, vector<3x8192xf32>, vector<1x8192xf32>, vector<3x8192xf32>, vector<32x8192xf32>, vector<82x8192xf32> -> vector<128x8192xf32>
    %transpose3A = tpu.transpose %concatenate3A, [1, 0] : vector<128x8192xf32> -> vector<8192x128xf32>
    %swap3A = arith.constant 0 : index
    %swap3A_18 = arith.constant 0 : index
    %swap3A_19 = vector.load %arg7[%swap3A, %swap3A_18] : memref<8192x128xf32, #tpu.memory_space<vmem>>, vector<8192x128xf32>
    tpu.vector_store %arg7[%swap3A, %swap3A_18], %transpose3A {strides = array<i32>} : memref<8192x128xf32, #tpu.memory_space<vmem>>, vector<8192x128xf32>,
    return
  }
  func.func @transform_0(%arg0: i32) -> (i32, i32) {
    %mul3A = arith.constant 0 : i32
    %mul3A_0 = arith.muli %arg0, %mul3A : i32
    %c0_i32 = arith.constant 0 : i32
    return %mul3A_0, %arg0 : i32, i32
  }
  func.func @transform_1(%arg0: i32) -> (i32, i32) {
    %mul3A = arith.constant 0 : i32
    %mul3A_0 = arith.muli %arg0, %mul3A : i32
    %c0_i32 = arith.constant 0 : i32
    return %mul3A_0, %arg0 : i32, i32
  }
  func.func @transform_2(%arg0: i32) -> (i32, i32) {
    %mul3A = arith.constant 0 : i32
    %mul3A_0 = arith.muli %arg0, %mul3A : i32
    %c0_i32 = arith.constant 0 : i32
    return %mul3A_0, %arg0 : i32, i32
  }
  func.func @transform_3(%arg0: i32) -> (i32, i32) {
    %mul3A = arith.constant 0 : i32
    %mul3A_0 = arith.muli %arg0, %mul3A : i32
    %c0_i32 = arith.constant 0 : i32
    return %mul3A_0, %arg0 : i32, i32
  }
  func.func @transform_4(%arg0: i32) -> (i32, i32) {
    %mul3A = arith.constant 0 : i32
    %mul3A_0 = arith.muli %arg0, %mul3A : i32
    %c0_i32 = arith.constant 0 : i32
    return %mul3A_0, %arg0 : i32, i32
  }
  func.func @transform_5(%arg0: i32) -> (i32, i32) {
    %mul3A = arith.constant 0 : i32
    %mul3A_0 = arith.muli %arg0, %mul3A : i32
    %c0_i32 = arith.constant 0 : i32
    return %mul3A_0, %arg0 : i32, i32
  }
  func.func @transform_6(%arg0: i32) -> (i32, i32) {
    %mul3A = arith.constant 0 : i32
    %mul3A_0 = arith.muli %arg0, %mul3A : i32
    %c0_i32 = arith.constant 0 : i32
    return %arg0, %mul3A_0 : i32, i32
  }
}

module attributes {stable_mosaic.version = 14 : i64} {
  func.func @_copy_body(%arg0: i32, %arg1: memref<3x8192xf32, #tpu.memory_space<vmem>>, %arg2: memref<4x8192xf32, #tpu.memory_space<vmem>>, %arg3: memref<3x8192xf32, #tpu.memory_space<vmem>>, %arg4: memref<1x8192xf32, #tpu.memory_space<vmem>>, %arg5: memref<3x8192xf32, #tpu.memory_space<vmem>>, %arg6: memref<32x8192xf32, #tpu.memory_space<vmem>>, %arg7: memref<8192x128xf32, #tpu.memory_space<vmem>>) attributes {dimension_semantics = [#tpu.dimension_semantics<arbitrary>], iteration_bounds = array<i64: 123>, scalar_prefetch = 0 : i64, scratch_operands = 0 : i64, tpu.core_type = #tpu.core_type<tc>, window_params = [{transform_indices = @transform_0, window_bounds = array<i64: 3, 8192>}, {transform_indices = @transform_1, window_bounds = array<i64: 4, 8192>}, {transform_indices = @transform_2, window_bounds = array<i64: 3, 8192>}, {transform_indices = @transform_3, window_bounds = array<i64: 1, 8192>}, {transform_indices = @transform_4, window_bounds = array<i64: 3, 8192>}, {transform_indices = @transform_5, window_bounds = array<i64: 32, 8192>}, {transform_indices = @transform_6, window_bounds = array<i64: 8192, 128>}]} {
    %get3A = arith.constant 0 : index
    %get3A_0 = arith.constant 0 : index
    %get3A_1 = vector.load %arg1[%get3A, %get3A_0] : memref<3x8192xf32, #tpu.memory_space<vmem>>, vector<3x8192xf32>
    %get3A_2 = arith.constant 0 : index
    %get3A_3 = arith.constant 0 : index
    %get3A_4 = vector.load %arg2[%get3A_2, %get3A_3] : memref<4x8192xf32, #tpu.memory_space<vmem>>, vector<4x8192xf32>
    %get3A_5 = arith.constant 0 : index
    %get3A_6 = arith.constant 0 : index
    %get3A_7 = vector.load %arg3[%get3A_5, %get3A_6] : memref<3x8192xf32, #tpu.memory_space<vmem>>, vector<3x8192xf32>
    %get3A_8 = arith.constant 0 : index
    %get3A_9 = arith.constant 0 : index
    %get3A_10 = vector.load %arg4[%get3A_8, %get3A_9] : memref<1x8192xf32, #tpu.memory_space<vmem>>, vector<1x8192xf32>
    %get3A_11 = arith.constant 0 : index
    %get3A_12 = arith.constant 0 : index
    %get3A_13 = vector.load %arg5[%get3A_11, %get3A_12] : memref<3x8192xf32, #tpu.memory_space<vmem>>, vector<3x8192xf32>
    %get3A_14 = arith.constant 0 : index
    %get3A_15 = arith.constant 0 : index
    %get3A_16 = vector.load %arg6[%get3A_14, %get3A_15] : memref<32x8192xf32, #tpu.memory_space<vmem>>, vector<32x8192xf32>
    %broadcast_in_dim3A = arith.constant 0.000000e+00 : f32
    %broadcast_in_dim3A_17 = vector.broadcast %broadcast_in_dim3A : f32 to vector<82x8192xf32>
    %concatenate3A = tpu.concatenate %get3A_1, %get3A_4, %get3A_7, %get3A_10, %get3A_13, %get3A_16, %broadcast_in_dim3A_17 in 0 : vector<3x8192xf32>, vector<4x8192xf32>, vector<3x8192xf32>, vector<1x8192xf32>, vector<3x8192xf32>, vector<32x8192xf32>, vector<82x8192xf32> -> vector<128x8192xf32>
    %transpose3A = tpu.transpose %concatenate3A, [1, 0] : vector<128x8192xf32> -> vector<8192x128xf32>
    %swap3A = arith.constant 0 : index
    %swap3A_18 = arith.constant 0 : index
    %swap3A_19 = vector.load %arg7[%swap3A, %swap3A_18] : memref<8192x128xf32, #tpu.memory_space<vmem>>, vector<8192x128xf32>
    tpu.vector_store %arg7[%swap3A, %swap3A_18], %transpose3A {strides = array<i32>} : memref<8192x128xf32, #tpu.memory_space<vmem>>, vector<8192x128xf32>,
    return
  }
  func.func @transform_0(%arg0: i32) -> (i32, i32) {
    %mul3A = arith.constant 0 : i32
    %mul3A_0 = arith.muli %arg0, %mul3A : i32
    %c0_i32 = arith.constant 0 : i32
    return %mul3A_0, %arg0 : i32, i32
  }
  func.func @transform_1(%arg0: i32) -> (i32, i32) {
    %mul3A = arith.constant 0 : i32
    %mul3A_0 = arith.muli %arg0, %mul3A : i32
    %c0_i32 = arith.constant 0 : i32
    return %mul3A_0, %arg0 : i32, i32
  }
  func.func @transform_2(%arg0: i32) -> (i32, i32) {
    %mul3A = arith.constant 0 : i32
    %mul3A_0 = arith.muli %arg0, %mul3A : i32
    %c0_i32 = arith.constant 0 : i32
    return %mul3A_0, %arg0 : i32, i32
  }
  func.func @transform_3(%arg0: i32) -> (i32, i32) {
    %mul3A = arith.constant 0 : i32
    %mul3A_0 = arith.muli %arg0, %mul3A : i32
    %c0_i32 = arith.constant 0 : i32
    return %mul3A_0, %arg0 : i32, i32
  }
  func.func @transform_4(%arg0: i32) -> (i32, i32) {
    %mul3A = arith.constant 0 : i32
    %mul3A_0 = arith.muli %arg0, %mul3A : i32
    %c0_i32 = arith.constant 0 : i32
    return %mul3A_0, %arg0 : i32, i32
  }
  func.func @transform_5(%arg0: i32) -> (i32, i32) {
    %mul3A = arith.constant 0 : i32
    %mul3A_0 = arith.muli %arg0, %mul3A : i32
    %c0_i32 = arith.constant 0 : i32
    return %mul3A_0, %arg0 : i32, i32
  }
  func.func @transform_6(%arg0: i32) -> (i32, i32) {
    %mul3A = arith.constant 0 : i32
    %mul3A_0 = arith.muli %arg0, %mul3A : i32
    %c0_i32 = arith.constant 0 : i32
    return %arg0, %mul3A_0 : i32, i32
  }
}

</mosaic_0001>

<sc_bundles>
// kernel: kernel.5.cloned.1.call-start
scs
__scs_entry_jumppad:
0x0: {  	(pc) =	sbr.rel $0x88, $3  }
0x1: {  	(tag) =	ssettag $0x0;
	lr =	simm.s32 $0x1  }
0x2: {  	[smem:$0x3F94] =	sst lr;
	_ =	strace $0xD0000000  }
0x3: {  	_ = 	snop  }
0x4: {  	_ = 	snop  }
0x5: {  	_ = 	snop  }
0x6: {  	_ = 	snop  }
0x7: {  	_ = 	snop  }
__scs_overlays_trampoline_lowered:
0x8: {  	[smem:$0x3FA3] =	sst s0  }
0x9: {  	[smem:$0x3FA4] =	sst s1  }
0xa: {  	[smem:$0x3FA5] =	sst s2  }
0xb: {  	[smem:$0x3FA6] =	sst s3  }
0xc: {  	[smem:$0x3FA7] =	sst s4  }
0xd: {  	[smem:$0x3FA8] =	sst s5  }
0xe: {  	[smem:$0x3FA9] =	sst s6  }
0xf: {  	[smem:$0x3FAA] =	sst s7  }
0x10: {  	[smem:$0x3FAB] =	sst s8  }
0x11: {  	[smem:$0x3FAC] =	sst s9;
	s0 =	simm.s32 @!p0 $0x0  }
0x12: {  	s1 =	sld [smem:$0x3F92];
	s0 =	simm.s32 @p0 $0x1  }
0x13: {  	[smem:$0x3FAD] =	sst s0;
	s0 =	simm.s32 @!p1 $0x0  }
0x14: {  	s2 =	sld [smem:$0x3F91];
	s0 =	simm.s32 @p1 $0x1  }
0x15: {  	[smem:$0x3FAE] =	sst s0;
	s0 =	simm.s32 @!p2 $0x0  }
0x16: {  	s3 =	sld [smem:$0x3FDB];
	s0 =	simm.s32 @p2 $0x1  }
0x17: {  	s4 =	simm.s32 $0x1BF5;
	[smem:$0x3FB0] =	sst s0  }
0x18: {  	s0 =	sld [smem:$0x3F93];
	_ =	swait.ge [sflag:s4], $0x0  }
0x19: {  	s7 =	sld [smem:$0x3F94]  }
0x1a: {  	s8 =	sadd.s32 $0xFFFFE003, lr  }
0x1b: {  	s9 =	sadd.s32 $0xFFFFFEF7, lr;
	s5 =	simm.s32 $0xFFFFFFFF;
	p2 =	slt.u32 s8, $0xFFFFF086  }
0x1c: {  	p1 =	slt.u32 s9, $0xF7A;
	s5 =	simm.s32 @!p2 $0x0  }
0x1d: {  	s5 =	simm.s32 @p1 $0x1;
	p0 =	seq.s32 s7, s2  }
0x1e: {  	s7 =	smul.u32 @!p0 $0xF7A, s2;
	p2 =	seq.s32 @!p0 s5, $0x0  }
0x1f: {  	s9 =	smul.u32 $0xF7A, s1;
	s8 =	simm.s32 @!p0 $0x1BF5;
	p2 =	por !p2, p0  }
0x20: {  	[sflag:s8] =	ssyncset.s32 @!p0 $0xFFFFF086;
	s6 =	sadd.s32 @!p0 s3, s7;
	s7 =	simm.s32 @!p0 $0x108  }
0x21: {  	s3 =	sadd.s32 s3, s9;
	s6 =	sadd.s32 @!p0 $0x88, s6;
	s7 =	simm.s32 @p2 $0x1082  }
0x22: {  	[simem:s7], [sflag:s8] =	dma.local @!p0 [hbm:s6], $0xF7A  }
0x23: {  	s9 =	sor.u32 $0xD0000000, s2;
	s6 =	simm.s32 $0x108;
	_ =	swait.ge @!p0 [sflag:s8], $0x0  }
0x24: {  	s3 =	sadd.s32 $0x88, s3;
	s6 =	simm.s32 @!p1 $0x1082;
	[sflag:s4] =	ssyncset.s32 $0xFFFFF086  }
0x25: {  	[simem:s6], [sflag:s4] =	dma.local [hbm:s3], $0xF7A  }
0x26: {  	[smem:$0x3F94] =	sst s1;
	(tag) =	ssettag s2;
	_ =	strace s9  }
0x27: {  	s1 =	sld [smem:$0x3FA4]  }
0x28: {  	s2 =	sld [smem:$0x3FA5]  }
0x29: {  	s4 =	sld [smem:$0x3FA7]  }
0x2a: {  	p0 =	seq.s32 s5, $0x0;
	s5 =	sld [smem:$0x3FA8]  }
0x2b: {  	s6 =	sld [smem:$0x3FA9]  }
0x2c: {  	s7 =	sld [smem:$0x3FAA]  }
0x2d: {  	s3 =	simm.s32 $0x108;
	s8 =	sld [smem:$0x3FAB]  }
0x2e: {  	s3 =	simm.s32 @!p0 $0x1082;
	s9 =	sld [smem:$0x3FAC]  }
0x2f: {  	lr =	sadd.s32 s0, s3;
	s0 =	sld [smem:$0x3FA3]  }
0x30: {  	s3 =	sld [smem:$0x3FA6]  }
0x31: {  	[smem:$0x3FAF] =	sst s10  }
0x32: {  	s10 =	sld [smem:$0x3FAD];
	_ =	sdelay $0x3  }
0x33: {  	p0 =	seq.s32 s10, $0x1;
	s10 =	sld [smem:$0x3FAF];
	_ =	sdelay $0x3  }
0x34: {  	[smem:$0x3FAF] =	sst s10  }
0x35: {  	s10 =	sld [smem:$0x3FAE];
	_ =	sdelay $0x3  }
0x36: {  	p1 =	seq.s32 s10, $0x1;
	s10 =	sld [smem:$0x3FAF];
	_ =	sdelay $0x3  }
0x37: {  	[smem:$0x3FAF] =	sst s10  }
0x38: {  	s10 =	sld [smem:$0x3FB0]  }
0x39: {  	_ = 	snop;
	(pc) =	sbr.ind lr, $3  }
0x3a: {  	_ = 	snop  }
0x3b: {  	_ = 	snop  }
0x3c: {  	p2 =	seq.s32 s10, $0x1;
	s10 =	sld [smem:$0x3FAF]  }
0x3d: {  	_ =	shalt  }
0x3e: {  	_ =	shalt  }
0x3f: {  	_ =	shalt  }
0x40: {  	_ =	shalt  }
0x41: {  	_ =	shalt  }
0x42: {  	_ =	shalt  }
0x43: {  	_ =	shalt  }
0x44: {  	_ =	shalt  }
0x45: {  	_ =	shalt  }
0x46: {  	_ =	shalt  }
0x47: {  	_ =	shalt  }
0x48: {  	_ =	shalt  }
0x49: {  	_ =	shalt  }
0x4a: {  	_ =	shalt  }
0x4b: {  	_ =	shalt  }
0x4c: {  	_ =	shalt  }
0x4d: {  	_ =	shalt  }
0x4e: {  	_ =	shalt  }
0x4f: {  	_ =	shalt  }
0x50: {  	_ =	shalt  }
0x51: {  	_ =	shalt  }
0x52: {  	_ =	shalt  }
0x53: {  	_ =	shalt  }
0x54: {  	_ =	shalt  }
0x55: {  	_ =	shalt  }
0x56: {  	_ =	shalt  }
0x57: {  	_ =	shalt  }
0x58: {  	_ =	shalt  }
0x59: {  	_ =	shalt  }
0x5a: {  	_ =	shalt  }
0x5b: {  	_ =	shalt  }
0x5c: {  	_ =	shalt  }
0x5d: {  	_ =	shalt  }
0x5e: {  	_ =	shalt  }
0x5f: {  	_ =	shalt  }
0x60: {  	_ =	shalt  }
0x61: {  	_ =	shalt  }
0x62: {  	_ =	shalt  }
0x63: {  	_ =	shalt  }
0x64: {  	_ =	shalt  }
0x65: {  	_ =	shalt  }
0x66: {  	_ =	shalt  }
0x67: {  	_ =	shalt  }
0x68: {  	_ =	shalt  }
0x69: {  	_ =	shalt  }
0x6a: {  	_ =	shalt  }
0x6b: {  	_ =	shalt  }
0x6c: {  	_ =	shalt  }
0x6d: {  	_ =	shalt  }
0x6e: {  	_ =	shalt  }
0x6f: {  	_ =	shalt  }
0x70: {  	_ =	shalt  }
0x71: {  	_ =	shalt  }
0x72: {  	_ =	shalt  }
0x73: {  	_ =	shalt  }
0x74: {  	_ =	shalt  }
0x75: {  	_ =	shalt  }
0x76: {  	_ =	shalt  }
0x77: {  	_ =	shalt  }
0x78: {  	_ =	shalt  }
0x79: {  	_ =	shalt  }
0x7a: {  	_ =	shalt  }
0x7b: {  	_ =	shalt  }
0x7c: {  	_ =	shalt  }
0x7d: {  	_ =	shalt  }
0x7e: {  	_ =	shalt  }
0x7f: {  	_ =	shalt  }
0x80: {  	_ =	shalt  }
0x81: {  	_ =	shalt  }
0x82: {  	_ =	shalt  }
0x83: {  	_ =	shalt  }
0x84: {  	_ =	shalt  }
0x85: {  	_ =	shalt  }
0x86: {  	_ =	shalt  }
0x87: {  	_ =	shalt  }
.Lfunc_end0:
.L_simem_size_0:
called_computation.1_lowered:
.L_overlay_start_0:
0x88: {  	s2 =	sld [smem:$0x3FD9]  }
0x89: {  	s3 =	sld [smem:$0x3FFE];
	_ =	sdelay $0x1  }
0x8a: {  	s1 =	srdreg.scid  }
0x8b: {  	s0 =	sand.u32 $0x1, s1  }
0x8c: {  	s17 =	sshll.u32 s0, $0xA;
	s2 =	sadd.s32 s3, s2  }
0x8d: {  	s2 =	sadd.s32 s2, s17  }
0x8e: {  	[smem:$0x3FBB] =	sst s2  }
0x8f: {  	_ = 	snop  }
0x90: {  	s2 =	sld [smem:$0x3FD0];
	(tm) =	ssettm $0x1  }
0x91: {  	s18 =	sld [smem:$0x3FFB];
	_ =	sdelay $0x3  }
0x92: {  	_ =	strace s18  }
0x93: {  	s3 =	sld [smem:$0x3FFC];
	_ =	sdelay $0x3  }
0x94: {  	_ =	strace s3  }
0x95: {  	s3 =	sld [smem:$0x3FFD];
	_ =	sdelay $0x3  }
0x96: {  	_ =	strace s3  }
0x97: {  	_ =	strace $0x8FFFFFFF  }
0x98: {  	s19 =	sld [smem:$0x3FDB];
	_ =	sdelay $0x1  }
0x99: {  	s4 =	simm.s32 $_scs_section_size  }
0x9a: {  	s5 =	simm.s32 $_size__tile_overlayer_lowered;
	s6 =	simm.s32 $_tile_overlayer_lowered  }
0x9b: {  	s22 =	simm.s32 $0x1BFF;
	s21 =	sshll.u32 s6, $0x1;
	s3 =	sadd.s32 s4, s19  }
0x9c: {  	s7 =	simm.s32 $0x0;
	s20 =	sshll.u32 s5, $0x1;
	s5 =	sadd.s32 s21, s3  }
0x9d: {  	[timem:s7], [sflag:s22] =	dma.local [hbm:s5], s20  }
0x9e: {  	_ =	swait.ge [sflag:s22], s20  }
0x9f: {  	s4 =	ssub.s32 $0x0, s20;
	[sflag:s22] =	ssyncset.done $0x0  }
0xa0: {  	[sflag:s22] =	ssyncadd.s32 s4;
	_ =	sdelay $0x1  }
0xa1: {  	s23 =	simm.s32 $0x1B8B  }
0xa2: {  	_ =	swait.ge [sflag:s23], $0x1  }
0xa3: {  	[sflag:s23] =	ssyncset.done $0x0  }
0xa4: {  	s25 =	simm.s32 $0x1B8E;
	s24 =	sld [smem:$0x3FFE];
	[sflag:s23] =	ssyncadd.s32 $0xFFFFFFFF  }
0xa5: {  	s26 =	simm.s32 $execute0_lowered;
	[smem:$0x3FD2] =	sst s25  }
0xa6: {  	s5 =	sshll.u32 s26, $0x1;
	_ =	strace $0x80000046;
	[dreg:$0x1] =	wrdreg $0xFFFFFFFF  }
0xa7: {  	s28 =	simm.s32 $_size_execute0_lowered;
	s3 =	sadd.s32 s3, s5;
	[dreg:$0x0] =	wrdreg $0x0  }
0xa8: {  	s5 =	sshll.u32 s28, $0x1;
	[dreg:$0x2] =	wrdreg s3  }
0xa9: {  	[dreg:$0x3] =	wrdreg s5  }
0xaa: {  	[dreg:$0x4] =	wrdreg $0xC0  }
0xab: {  	_ =	task [dreg:s7], $0x5FFFF  }
0xac: {  	[dreg:$0x1] =	wrdreg $0xFFFFFFFF  }
0xad: {  	[dreg:$0x0] =	wrdreg $0x60  }
0xae: {  	[dreg:$0x2] =	wrdreg s24  }
0xaf: {  	[dreg:$0x3] =	wrdreg s2  }
0xb0: {  	[dreg:$0x4] =	wrdreg $0x9  }
0xb1: {  	_ =	task.clear_ibuf [dreg:s7], $0x5FFFF;
	_ =	strace $0x90000046  }
0xb2: {  	s29 =	simm.s32 $0x9;
	_ =	strace $0x80000048  }
0xb3: {  	_ =	swait.ge [sflag:s29], $0x1  }
0xb4: {  	[sflag:s29] =	ssyncadd.s32 $0xFFFFFFFF  }
0xb5: {  	_ =	strace $0x90000048  }
0xb6: {  	_ =	sfence  }
0xb7: {  	s30 =	sld [smem:$0x0];
	_ =	sdelay $0x2  }
0xb8: {  	s31 =	sshll.u32 s1, $0xD;
	s1 =	sshrl.u32 s1, $0x2  }
0xb9: {  	s3 =	sand.u32 $0x4000, s31;
	s1 =	sadd.s32 s1, s30  }
0xba: {  	s0 =	sor.u32 s3, s0;
	s1 =	sshll.u32 s1, $0x11  }
0xbb: {  	s0 =	sor.u32 s1, s0  }
0xbc: {  	s0 =	sadd.s32 $0x8F2B, s0  }
0xbd: {  	[sflag:s0] =	ssyncadd.remote.s32 $0x1  }
0xbe: {  	_ =	sfence.sel $0xFFFF  }
0xbf: {  	[dreg:$0x0] =	wrdreg $0xFFFFFFFF;
	(pc) =	sbr.abs _section_cstart, $3  }
0xc0: {  	[dreg:$0x1] =	wrdreg $0xFFFFFFFF  }
0xc1: {  	_ =	task.clear_ibuf [dreg:s7], $0x2FFFF;
	_ =	strace $0x9FFFFFFF  }
0xc2: {  	(tm) =	ssettm $0x7FFFFFFF  }
0xc3: {  	_ =	shalt  }
tec
execute0_lowered:
.L_overlay_start_1:
0x0: {  	(tag) =	ssettag $0x1  }
0x1: {  	s1 =	srdreg.scid;
	s0 =	stileid.u32  }
0x2: {  	s8 =	sand.u32 $0x1, s1;
	s4 =	sshll.u32 s0, $0x1  }
0x3: {  	s18 =	sor.u32 s8, s4  }
0x4: {  	p0 =	seq.s32 s18, $0x1F  }
.Ltmp0:
0x5: {  	_ = 	snop;
	(pc) =	sbr.rel @p0 .LBB2_23-.Ltmp0, $4  }
0x6: {  	s13 =	rddreg [dreg:$0x0]  }
0x7: {  	s2 =	rddreg [dreg:$0x1];
	s3 =	simm.s32 $0x0  }
0x8: {  	[smem:$0x7FF] =	sst s3  }
0x9: {  	s1 =	rddreg [dreg:$0x2];
	_ =	strace $0x80000047  }
0xa: {  	s4 =	sadd.s32 $0x1600, s13;
	s5 =	sadd.s32 $0x5600, s13;
	s6 =	sshll.u32 s18, $0xF  }
0xb: {  	s19 =	sor.u32 $0xF4240, s18;
	s7 =	sadd.s32 $0x1E00, s13;
	s12 =	ssub.s32 $0x2, s8  }
0xc: {  	s8 =	sadd.s32 $0x2600, s13;
	s9 =	sadd.s32 $0x2E00, s13;
	s10 =	sadd.s32 $0x3600, s13  }
0xd: {  	s11 =	sadd.s32 $0x3E00, s13;
	s15 =	simm.s32 $0x8000;
	s16 =	simm.s32 $0x3  }
0xe: {  	s17 =	simm.s32 $0x80;
	v0 =	vmov s18;
	s18 =	simm.s32 $0xC000;
	s20 =	simm.s32 $0x1  }
0xf: {  	s21 =	simm.s32 $0xC080;
	s22 =	simm.s32 $0x2;
	s14 =	sshrl.u32 s12, $0x1  }
0x10: {  	s23 =	simm.s32 $0x0;
	v1 =	vmov s19;
	s19 =	simm.s32 $0xC100;
	s14 =	ssub.s32 s12, s14  }
0x11: {  	v2 =	vimm.s32 $0x0;
	vm0 =	vmxor vm0, vm0;
	v3 =	vlaneseq.u32;
	s12 =	sadd.s32 $0x4600, s13;
	s13 =	sadd.s32 $0x4E00, s13;
	s14 =	smax.u32 s14, $0x1  }
.LBB2_2:
0x12: {  	s24 =	simm.s32 $0x40;
	s25 =	simm.s32 $0x0  }
.LBB2_3:
0x13: {  	p0 =	sne.s32 s24, $0x1FFC0;
	[tilespmem:s25+$0x0] =	vst v2;
	s25 =	smov.u32 s24;
	s24 =	sadd.s32 $0x40, s24  }
.Ltmp1:
0x14: {  	(pc) =	sbr.rel @p0 .LBB2_3-.Ltmp1, $2  }
0x15: {  	_ =	sdelay $0x2  }
0x16: {  	s25 =	sshra.s32 s25, $0x2  }
0x17: {  	[tilespmem:s25+$0x0] =	vst v2  }
0x18: {  	[tilespmem:$0xC000] =	vst v2  }
0x19: {  	[tilespmem:$0xC080] =	vst v1  }
0x1a: {  	[tilespmem:$0xC010] =	vst v2  }
0x1b: {  	[tilespmem:$0xC090] =	vst v1  }
0x1c: {  	[tilespmem:$0xC020] =	vst v2  }
0x1d: {  	[tilespmem:$0xC0A0] =	vst v1  }
0x1e: {  	[tilespmem:$0xC030] =	vst v2  }
0x1f: {  	[tilespmem:$0xC0B0] =	vst v1  }
0x20: {  	[tilespmem:$0xC040] =	vst v2  }
0x21: {  	[tilespmem:$0xC0C0] =	vst v1  }
0x22: {  	[tilespmem:$0xC050] =	vst v2  }
0x23: {  	[tilespmem:$0xC0D0] =	vst v1  }
0x24: {  	[tilespmem:$0xC060] =	vst v2  }
0x25: {  	[tilespmem:$0xC0E0] =	vst v1  }
0x26: {  	[tilespmem:$0xC070] =	vst v2  }
0x27: {  	s24 =	simm.s32 $0x0;
	[tilespmem:$0xC0F0] =	vst v1  }
0x28: {  	[tilespmem:s15], [sflag:$0x3] =	stream.linear.gather [hbm4b:s4+s24], $0x4000, $0x38;
	[tilespmem:$0x10100] =	vst v63  }
0x29: {  	_ =	swait.ge [sflag:s16], $0x4000  }
0x2a: {  	[sflag:s16] =	ssyncset.done $0x0  }
0x2b: {  	vm1 =	vmmov vm0;
	[sflag:s16] =	ssyncadd.s32 $0xFFFFC000  }
.LBB2_5:
0x2c: {  	s25 =	sshll.u32 s24, $0x4  }
0x2d: {  	v4 =	vld [tilespmem:s25+$0x8000];
	_ =	sdelay $0x4  }
0x2e: {  	v5 =	vshra.s32 v4, $0xF  }
0x2f: {  	vm2 =	veq.s32 v5, v0  }
0x30: {  	v4 =	vand.u32 $0x7FFF, v4;
	_ =	sdelay $0x4  }
0x31: {  	v5 =	vld.idx.msk [tilespmem:v4+s3+$0x0], vm2;
	_ =	sdelay $0x2  }
0x32: {  	s25 =	sor.u32 $0x1, s25  }
0x33: {  	v6 =	vadd.s32 s25, v3  }
0x34: {  	vm3 =	vgt.s32 v6, v5  }
0x35: {  	vm2 =	vmand vm2, vm3;
	_ =	sdelay $0x5  }
0x36: {  	[tilespmem:v4+s3+$0x0] =	vst.idx.msk vm2, v6  }
0x37: {  	v4 =	vld.idx.msk [tilespmem:v4+s3+$0x0], vm2;
	_ =	sdelay $0x4  }
0x38: {  	vm3 =	vgt.s32 v6, v4  }
0x39: {  	s24 =	sadd.s32 $0x1, s24;
	vm2 =	vmand vm2, vm3  }
0x3a: {  	p0 =	sne.s32 s24, $0x400;
	vm2 =	vmor vm1, vm2  }
0x3b: {  	v4 =	vmpcnt.ones.xlane @!p0 vm2;
	_ =	sdelay $0x1  }
0x3c: {  	(v2sf) =	vpush @!p0 v4, $0x0;
	_ =	sdelay $0xe  }
0x3d: {  	s25 =	spop @!p0 (v2sf)  }
0x3e: {  	p1 =	sgt.s32 @!p0 s25, $0x0  }
0x3f: {  	p1 =	por p0, p1  }
.Ltmp2:
0x40: {  	_ = 	snop;
	(pc) =	sbr.rel @p1 .LBB2_5-.Ltmp2, $3  }
0x41: {  	_ =	sdelay $0x1  }
0x42: {  	vm1 =	vmxor @!p0 vm1, vm1  }
0x43: {  	s24 =	simm.s32 @!p0 $0x0;
	vm1 =	vmmov @p0 vm2  }
0x44: {  	s24 =	simm.s32 $0x0  }
0x45: {  	[tilespmem:s15], [sflag:$0x3] =	stream.linear.gather [hbm4b:s7+s24], $0x4000, $0x38;
	[tilespmem:$0x10100] =	vst v63  }
0x46: {  	_ =	swait.ge [sflag:s16], $0x4000  }
0x47: {  	[sflag:s16] =	ssyncset.done $0x0  }
0x48: {  	vm1 =	vmmov vm0;
	[sflag:s16] =	ssyncadd.s32 $0xFFFFC000  }
.LBB2_7:
0x49: {  	s25 =	sshll.u32 s24, $0x4  }
0x4a: {  	v4 =	vld [tilespmem:s25+$0x8000];
	_ =	sdelay $0x4  }
0x4b: {  	v5 =	vshra.s32 v4, $0xF  }
0x4c: {  	vm2 =	veq.s32 v5, v0  }
0x4d: {  	v4 =	vand.u32 $0x7FFF, v4;
	_ =	sdelay $0x4  }
0x4e: {  	v5 =	vld.idx.msk [tilespmem:v4+s3+$0x0], vm2;
	_ =	sdelay $0x2  }
0x4f: {  	s25 =	sor.u32 $0x4001, s25  }
0x50: {  	v6 =	vadd.s32 s25, v3  }
0x51: {  	vm3 =	vgt.s32 v6, v5  }
0x52: {  	vm2 =	vmand vm2, vm3;
	_ =	sdelay $0x5  }
0x53: {  	[tilespmem:v4+s3+$0x0] =	vst.idx.msk vm2, v6  }
0x54: {  	v4 =	vld.idx.msk [tilespmem:v4+s3+$0x0], vm2;
	_ =	sdelay $0x4  }
0x55: {  	vm3 =	vgt.s32 v6, v4  }
0x56: {  	s24 =	sadd.s32 $0x1, s24;
	vm2 =	vmand vm2, vm3  }
0x57: {  	p0 =	sne.s32 s24, $0x400;
	vm2 =	vmor vm1, vm2  }
0x58: {  	v4 =	vmpcnt.ones.xlane @!p0 vm2;
	_ =	sdelay $0x1  }
0x59: {  	(v2sf) =	vpush @!p0 v4, $0x0;
	_ =	sdelay $0xe  }
0x5a: {  	s25 =	spop @!p0 (v2sf)  }
0x5b: {  	p1 =	sgt.s32 @!p0 s25, $0x0  }
0x5c: {  	p1 =	por p0, p1  }
.Ltmp3:
0x5d: {  	_ = 	snop;
	(pc) =	sbr.rel @p1 .LBB2_7-.Ltmp3, $3  }
0x5e: {  	_ =	sdelay $0x1  }
0x5f: {  	vm1 =	vmxor @!p0 vm1, vm1  }
0x60: {  	s24 =	simm.s32 @!p0 $0x0;
	vm1 =	vmmov @p0 vm2  }
0x61: {  	s24 =	simm.s32 $0x0  }
0x62: {  	[tilespmem:s15], [sflag:$0x3] =	stream.linear.gather [hbm4b:s8+s24], $0x4000, $0x38;
	[tilespmem:$0x10100] =	vst v63  }
0x63: {  	_ =	swait.ge [sflag:s16], $0x4000  }
0x64: {  	[sflag:s16] =	ssyncset.done $0x0  }
0x65: {  	vm1 =	vmmov vm0;
	[sflag:s16] =	ssyncadd.s32 $0xFFFFC000  }
.LBB2_9:
0x66: {  	s25 =	sshll.u32 s24, $0x4  }
0x67: {  	v4 =	vld [tilespmem:s25+$0x8000];
	_ =	sdelay $0x4  }
0x68: {  	v5 =	vshra.s32 v4, $0xF  }
0x69: {  	vm2 =	veq.s32 v5, v0  }
0x6a: {  	v4 =	vand.u32 $0x7FFF, v4;
	_ =	sdelay $0x4  }
0x6b: {  	v5 =	vld.idx.msk [tilespmem:v4+s3+$0x0], vm2;
	_ =	sdelay $0x2  }
0x6c: {  	s25 =	sor.u32 $0x8001, s25  }
0x6d: {  	v6 =	vadd.s32 s25, v3  }
0x6e: {  	vm3 =	vgt.s32 v6, v5  }
0x6f: {  	vm2 =	vmand vm2, vm3;
	_ =	sdelay $0x5  }
0x70: {  	[tilespmem:v4+s3+$0x0] =	vst.idx.msk vm2, v6  }
0x71: {  	v4 =	vld.idx.msk [tilespmem:v4+s3+$0x0], vm2;
	_ =	sdelay $0x4  }
0x72: {  	vm3 =	vgt.s32 v6, v4  }
0x73: {  	s24 =	sadd.s32 $0x1, s24;
	vm2 =	vmand vm2, vm3  }
0x74: {  	p0 =	sne.s32 s24, $0x400;
	vm2 =	vmor vm1, vm2  }
0x75: {  	v4 =	vmpcnt.ones.xlane @!p0 vm2;
	_ =	sdelay $0x1  }
0x76: {  	(v2sf) =	vpush @!p0 v4, $0x0;
	_ =	sdelay $0xe  }
0x77: {  	s25 =	spop @!p0 (v2sf)  }
0x78: {  	p1 =	sgt.s32 @!p0 s25, $0x0  }
0x79: {  	p1 =	por p0, p1  }
.Ltmp4:
0x7a: {  	_ = 	snop;
	(pc) =	sbr.rel @p1 .LBB2_9-.Ltmp4, $3  }
0x7b: {  	_ =	sdelay $0x1  }
0x7c: {  	vm1 =	vmxor @!p0 vm1, vm1  }
0x7d: {  	s24 =	simm.s32 @!p0 $0x0;
	vm1 =	vmmov @p0 vm2  }
0x7e: {  	s24 =	simm.s32 $0x0  }
0x7f: {  	[tilespmem:s15], [sflag:$0x3] =	stream.linear.gather [hbm4b:s9+s24], $0x4000, $0x38;
	[tilespmem:$0x10100] =	vst v63  }
0x80: {  	_ =	swait.ge [sflag:s16], $0x4000  }
0x81: {  	[sflag:s16] =	ssyncset.done $0x0  }
0x82: {  	vm1 =	vmmov vm0;
	[sflag:s16] =	ssyncadd.s32 $0xFFFFC000  }
.LBB2_11:
0x83: {  	s25 =	sshll.u32 s24, $0x4  }
0x84: {  	v4 =	vld [tilespmem:s25+$0x8000];
	_ =	sdelay $0x4  }
0x85: {  	v5 =	vshra.s32 v4, $0xF  }
0x86: {  	vm2 =	veq.s32 v5, v0  }
0x87: {  	v4 =	vand.u32 $0x7FFF, v4;
	_ =	sdelay $0x4  }
0x88: {  	v5 =	vld.idx.msk [tilespmem:v4+s3+$0x0], vm2;
	_ =	sdelay $0x2  }
0x89: {  	s25 =	sor.u32 $0xC001, s25  }
0x8a: {  	v6 =	vadd.s32 s25, v3  }
0x8b: {  	vm3 =	vgt.s32 v6, v5  }
0x8c: {  	vm2 =	vmand vm2, vm3;
	_ =	sdelay $0x5  }
0x8d: {  	[tilespmem:v4+s3+$0x0] =	vst.idx.msk vm2, v6  }
0x8e: {  	v4 =	vld.idx.msk [tilespmem:v4+s3+$0x0], vm2;
	_ =	sdelay $0x4  }
0x8f: {  	vm3 =	vgt.s32 v6, v4  }
0x90: {  	s24 =	sadd.s32 $0x1, s24;
	vm2 =	vmand vm2, vm3  }
0x91: {  	p0 =	sne.s32 s24, $0x400;
	vm2 =	vmor vm1, vm2  }
0x92: {  	v4 =	vmpcnt.ones.xlane @!p0 vm2;
	_ =	sdelay $0x1  }
0x93: {  	(v2sf) =	vpush @!p0 v4, $0x0;
	_ =	sdelay $0xe  }
0x94: {  	s25 =	spop @!p0 (v2sf)  }
0x95: {  	p1 =	sgt.s32 @!p0 s25, $0x0  }
0x96: {  	p1 =	por p0, p1  }
.Ltmp5:
0x97: {  	_ = 	snop;
	(pc) =	sbr.rel @p1 .LBB2_11-.Ltmp5, $3  }
0x98: {  	_ =	sdelay $0x1  }
0x99: {  	vm1 =	vmxor @!p0 vm1, vm1  }
0x9a: {  	s24 =	simm.s32 @!p0 $0x0;
	vm1 =	vmmov @p0 vm2  }
0x9b: {  	s24 =	simm.s32 $0x0  }
0x9c: {  	[tilespmem:s15], [sflag:$0x3] =	stream.linear.gather [hbm4b:s10+s24], $0x4000, $0x38;
	[tilespmem:$0x10100] =	vst v63  }
0x9d: {  	_ =	swait.ge [sflag:s16], $0x4000  }
0x9e: {  	[sflag:s16] =	ssyncset.done $0x0  }
0x9f: {  	vm1 =	vmmov vm0;
	[sflag:s16] =	ssyncadd.s32 $0xFFFFC000  }
.LBB2_13:
0xa0: {  	s25 =	sshll.u32 s24, $0x4  }
0xa1: {  	v4 =	vld [tilespmem:s25+$0x8000];
	_ =	sdelay $0x4  }
0xa2: {  	v5 =	vshra.s32 v4, $0xF  }
0xa3: {  	vm2 =	veq.s32 v5, v0  }
0xa4: {  	v4 =	vand.u32 $0x7FFF, v4;
	_ =	sdelay $0x4  }
0xa5: {  	v5 =	vld.idx.msk [tilespmem:v4+s3+$0x0], vm2;
	_ =	sdelay $0x2  }
0xa6: {  	s25 =	sor.u32 $0x10001, s25  }
0xa7: {  	v6 =	vadd.s32 s25, v3  }
0xa8: {  	vm3 =	vgt.s32 v6, v5  }
0xa9: {  	vm2 =	vmand vm2, vm3;
	_ =	sdelay $0x5  }
0xaa: {  	[tilespmem:v4+s3+$0x0] =	vst.idx.msk vm2, v6  }
0xab: {  	v4 =	vld.idx.msk [tilespmem:v4+s3+$0x0], vm2;
	_ =	sdelay $0x4  }
0xac: {  	vm3 =	vgt.s32 v6, v4  }
0xad: {  	s24 =	sadd.s32 $0x1, s24;
	vm2 =	vmand vm2, vm3  }
0xae: {  	p0 =	sne.s32 s24, $0x400;
	vm2 =	vmor vm1, vm2  }
0xaf: {  	v4 =	vmpcnt.ones.xlane @!p0 vm2;
	_ =	sdelay $0x1  }
0xb0: {  	(v2sf) =	vpush @!p0 v4, $0x0;
	_ =	sdelay $0xe  }
0xb1: {  	s25 =	spop @!p0 (v2sf)  }
0xb2: {  	p1 =	sgt.s32 @!p0 s25, $0x0  }
0xb3: {  	p1 =	por p0, p1  }
.Ltmp6:
0xb4: {  	_ = 	snop;
	(pc) =	sbr.rel @p1 .LBB2_13-.Ltmp6, $3  }
0xb5: {  	_ =	sdelay $0x1  }
0xb6: {  	vm1 =	vmxor @!p0 vm1, vm1  }
0xb7: {  	s24 =	simm.s32 @!p0 $0x0;
	vm1 =	vmmov @p0 vm2  }
0xb8: {  	s24 =	simm.s32 $0x0  }
0xb9: {  	[tilespmem:s15], [sflag:$0x3] =	stream.linear.gather [hbm4b:s11+s24], $0x4000, $0x38;
	[tilespmem:$0x10100] =	vst v63  }
0xba: {  	_ =	swait.ge [sflag:s16], $0x4000  }
0xbb: {  	[sflag:s16] =	ssyncset.done $0x0  }
0xbc: {  	vm1 =	vmmov vm0;
	[sflag:s16] =	ssyncadd.s32 $0xFFFFC000  }
.LBB2_15:
0xbd: {  	s25 =	sshll.u32 s24, $0x4  }
0xbe: {  	v4 =	vld [tilespmem:s25+$0x8000];
	_ =	sdelay $0x4  }
0xbf: {  	v5 =	vshra.s32 v4, $0xF  }
0xc0: {  	vm2 =	veq.s32 v5, v0  }
0xc1: {  	v4 =	vand.u32 $0x7FFF, v4;
	_ =	sdelay $0x4  }
0xc2: {  	v5 =	vld.idx.msk [tilespmem:v4+s3+$0x0], vm2;
	_ =	sdelay $0x2  }
0xc3: {  	s25 =	sor.u32 $0x14001, s25  }
0xc4: {  	v6 =	vadd.s32 s25, v3  }
0xc5: {  	vm3 =	vgt.s32 v6, v5  }
0xc6: {  	vm2 =	vmand vm2, vm3;
	_ =	sdelay $0x5  }
0xc7: {  	[tilespmem:v4+s3+$0x0] =	vst.idx.msk vm2, v6  }
0xc8: {  	v4 =	vld.idx.msk [tilespmem:v4+s3+$0x0], vm2;
	_ =	sdelay $0x4  }
0xc9: {  	vm3 =	vgt.s32 v6, v4  }
0xca: {  	s24 =	sadd.s32 $0x1, s24;
	vm2 =	vmand vm2, vm3  }
0xcb: {  	p0 =	sne.s32 s24, $0x400;
	vm2 =	vmor vm1, vm2  }
0xcc: {  	v4 =	vmpcnt.ones.xlane @!p0 vm2;
	_ =	sdelay $0x1  }
0xcd: {  	(v2sf) =	vpush @!p0 v4, $0x0;
	_ =	sdelay $0xe  }
0xce: {  	s25 =	spop @!p0 (v2sf)  }
0xcf: {  	p1 =	sgt.s32 @!p0 s25, $0x0  }
0xd0: {  	p1 =	por p0, p1  }
.Ltmp7:
0xd1: {  	_ = 	snop;
	(pc) =	sbr.rel @p1 .LBB2_15-.Ltmp7, $3  }
0xd2: {  	_ =	sdelay $0x1  }
0xd3: {  	vm1 =	vmxor @!p0 vm1, vm1  }
0xd4: {  	s24 =	simm.s32 @!p0 $0x0;
	vm1 =	vmmov @p0 vm2  }
0xd5: {  	s24 =	simm.s32 $0x0  }
0xd6: {  	[tilespmem:s15], [sflag:$0x3] =	stream.linear.gather [hbm4b:s12+s24], $0x4000, $0x38;
	[tilespmem:$0x10100] =	vst v63  }
0xd7: {  	_ =	swait.ge [sflag:s16], $0x4000  }
0xd8: {  	[sflag:s16] =	ssyncset.done $0x0  }
0xd9: {  	vm1 =	vmmov vm0;
	[sflag:s16] =	ssyncadd.s32 $0xFFFFC000  }
.LBB2_17:
0xda: {  	s25 =	sshll.u32 s24, $0x4  }
0xdb: {  	v4 =	vld [tilespmem:s25+$0x8000];
	_ =	sdelay $0x4  }
0xdc: {  	v5 =	vshra.s32 v4, $0xF  }
0xdd: {  	vm2 =	veq.s32 v5, v0  }
0xde: {  	v4 =	vand.u32 $0x7FFF, v4;
	_ =	sdelay $0x4  }
0xdf: {  	v5 =	vld.idx.msk [tilespmem:v4+s3+$0x0], vm2;
	_ =	sdelay $0x2  }
0xe0: {  	s25 =	sor.u32 $0x18001, s25  }
0xe1: {  	v6 =	vadd.s32 s25, v3  }
0xe2: {  	vm3 =	vgt.s32 v6, v5  }
0xe3: {  	vm2 =	vmand vm2, vm3;
	_ =	sdelay $0x5  }
0xe4: {  	[tilespmem:v4+s3+$0x0] =	vst.idx.msk vm2, v6  }
0xe5: {  	v4 =	vld.idx.msk [tilespmem:v4+s3+$0x0], vm2;
	_ =	sdelay $0x4  }
0xe6: {  	vm3 =	vgt.s32 v6, v4  }
0xe7: {  	s24 =	sadd.s32 $0x1, s24;
	vm2 =	vmand vm2, vm3  }
0xe8: {  	p0 =	sne.s32 s24, $0x400;
	vm2 =	vmor vm1, vm2  }
0xe9: {  	v4 =	vmpcnt.ones.xlane @!p0 vm2;
	_ =	sdelay $0x1  }
0xea: {  	(v2sf) =	vpush @!p0 v4, $0x0;
	_ =	sdelay $0xe  }
0xeb: {  	s25 =	spop @!p0 (v2sf)  }
0xec: {  	p1 =	sgt.s32 @!p0 s25, $0x0  }
0xed: {  	p1 =	por p0, p1  }
.Ltmp8:
0xee: {  	_ = 	snop;
	(pc) =	sbr.rel @p1 .LBB2_17-.Ltmp8, $3  }
0xef: {  	_ =	sdelay $0x1  }
0xf0: {  	vm1 =	vmxor @!p0 vm1, vm1  }
0xf1: {  	s24 =	simm.s32 @!p0 $0x0;
	vm1 =	vmmov @p0 vm2  }
0xf2: {  	s24 =	simm.s32 $0x0  }
0xf3: {  	[tilespmem:s15], [sflag:$0x3] =	stream.linear.gather [hbm4b:s13+s24], $0x4000, $0x38;
	[tilespmem:$0x10100] =	vst v63  }
0xf4: {  	_ =	swait.ge [sflag:s16], $0x4000  }
0xf5: {  	[sflag:s16] =	ssyncset.done $0x0  }
0xf6: {  	vm1 =	vmmov vm0;
	[sflag:s16] =	ssyncadd.s32 $0xFFFFC000  }
.LBB2_19:
0xf7: {  	s25 =	sshll.u32 s24, $0x4  }
0xf8: {  	v4 =	vld [tilespmem:s25+$0x8000];
	_ =	sdelay $0x4  }
0xf9: {  	v5 =	vshra.s32 v4, $0xF  }
0xfa: {  	vm2 =	veq.s32 v5, v0  }
0xfb: {  	v4 =	vand.u32 $0x7FFF, v4;
	_ =	sdelay $0x4  }
0xfc: {  	v5 =	vld.idx.msk [tilespmem:v4+s3+$0x0], vm2;
	_ =	sdelay $0x2  }
0xfd: {  	s25 =	sor.u32 $0x1C001, s25  }
0xfe: {  	v6 =	vadd.s32 s25, v3  }
0xff: {  	vm3 =	vgt.s32 v6, v5  }
0x100: {  	vm2 =	vmand vm2, vm3;
	_ =	sdelay $0x5  }
0x101: {  	[tilespmem:v4+s3+$0x0] =	vst.idx.msk vm2, v6  }
0x102: {  	v4 =	vld.idx.msk [tilespmem:v4+s3+$0x0], vm2;
	_ =	sdelay $0x4  }
0x103: {  	vm3 =	vgt.s32 v6, v4  }
0x104: {  	s24 =	sadd.s32 $0x1, s24;
	vm2 =	vmand vm2, vm3  }
0x105: {  	p0 =	sne.s32 s24, $0x400;
	vm2 =	vmor vm1, vm2  }
0x106: {  	v4 =	vmpcnt.ones.xlane @!p0 vm2;
	_ =	sdelay $0x1  }
0x107: {  	(v2sf) =	vpush @!p0 v4, $0x0;
	_ =	sdelay $0xe  }
0x108: {  	s25 =	spop @!p0 (v2sf)  }
0x109: {  	p1 =	sgt.s32 @!p0 s25, $0x0  }
0x10a: {  	p1 =	por p0, p1  }
.Ltmp9:
0x10b: {  	_ = 	snop;
	(pc) =	sbr.rel @p1 .LBB2_19-.Ltmp9, $3  }
0x10c: {  	_ =	sdelay $0x1  }
0x10d: {  	vm1 =	vmxor @!p0 vm1, vm1  }
0x10e: {  	s24 =	simm.s32 @!p0 $0x0;
	vm1 =	vmmov @p0 vm2;
	s25 =	simm.s32 @!p0 $0x0  }
0x10f: {  	s24 =	simm.s32 $0x0  }
0x110: {  	v4 =	vld [tilespmem:s24+$0x0];
	_ =	sdelay $0x4  }
0x111: {  	vm1 =	vgt.s32 v4, $0x0  }
0x112: {  	v5 =	vmpcnt.ones.xlane vm1;
	_ =	sdelay $0x1  }
0x113: {  	(v2sf) =	vpush v5, $0x0;
	_ =	sdelay $0xe  }
0x114: {  	s31 =	spop (v2sf)  }
0x115: {  	v4 =	vadd.s32 $0xFFFFFFFF, v4;
	s24 =	sadd.s32 $0x0, s31  }
0x116: {  	[tilespmem:s25+$0xC000] =	vst.msk vm1, v4;
	v4 =	vor.u32 s6, v3;
	p1 =	slt.s32 s24, $0x70  }
0x117: {  	[tilespmem:s25+$0xC080] =	vst.msk vm1, v4;
	s25 =	simm.s32 @!p1 $0x80;
	s26 =	simm.s32 @!p1 $0xC000;
	s28 =	simm.s32 @!p1 $0xC100  }
0x118: {  	[tilespmem:s28], [sflag:$0x1] =	stream.indirect.gather @!p1 [hbm4b:s2+s25], $0x80, s26, s25, $0xb8;
	[tilespmem:$0x10100] =	vst v63  }
0x119: {  	s26 =	simm.s32 @!p1 $0x1  }
0x11a: {  	_ =	swait.ge @!p1 [sflag:s26], $0x4000  }
0x11b: {  	[sflag:s26] =	ssyncset.done @!p1 $0x0  }
0x11c: {  	p0 =	sgt.s32 s24, $0x6F;
	s29 =	simm.s32 @!p1 $0xC080;
	[sflag:s26] =	ssyncadd.s32 @!p1 $0xFFFFC000  }
0x11d: {  	[hbm4b:s5+s25] =	stream.indirect.scatter @!p1 [tilespmem:s28], [sflag:$0x2], $0x80, s29, s25, $0xb8;
	[tilespmem:$0x10100] =	vst v63  }
0x11e: {  	s24 =	simm.s32 @p0 $0x0;
	s28 =	simm.s32 @!p1 $0x2  }
0x11f: {  	s26 =	smov.u32 s6;
	s25 =	simm.s32 $0x40;
	_ =	swait.ge @!p1 [sflag:s28], $0x4000  }
.LBB2_21:
0x120: {  	[sflag:s28] =	ssyncset.done @!p1 $0x0  }
0x121: {  	s26 =	sadd.s32 $0x10, s26;
	s29 =	smov.u32 s25;
	s25 =	sadd.s32 $0x40, s25  }
0x122: {  	s29 =	sshra.s32 s29, $0x2;
	p0 =	sne.s32 s25, $0x20000;
	[sflag:s28] =	ssyncadd.s32 @!p1 $0xFFFFC000  }
0x123: {  	v4 =	vld [tilespmem:s29+$0x0];
	_ =	sdelay $0x4  }
0x124: {  	vm1 =	vgt.s32 v4, $0x0;
	v4 =	vadd.s32 $0xFFFFFFFF, v4  }
0x125: {  	v5 =	vmpcnt.ones.xlane vm1;
	[tilespmem:s24+$0xC000] =	vst.msk vm1, v4;
	v4 =	vor.u32 s26, v3  }
0x126: {  	[tilespmem:s24+$0xC080] =	vst.msk vm1, v4  }
0x127: {  	(v2sf) =	vpush v5, $0x0;
	_ =	sdelay $0xe  }
0x128: {  	s28 =	spop (v2sf)  }
0x129: {  	s24 =	sadd.s32 s24, s28  }
0x12a: {  	p1 =	slt.s32 s24, $0x70;
	p2 =	sgt.s32 s24, $0x6F  }
0x12b: {  	s29 =	simm.s32 @!p1 $0x80;
	s28 =	simm.s32 @!p1 $0xC000;
	s30 =	simm.s32 @!p1 $0xC100  }
0x12c: {  	[tilespmem:s30], [sflag:$0x1] =	stream.indirect.gather @!p1 [hbm4b:s2+s29], $0x80, s28, s29, $0xb8;
	[tilespmem:$0x10100] =	vst v63  }
0x12d: {  	s24 =	simm.s32 @p2 $0x0;
	s28 =	simm.s32 @!p1 $0x1  }
.Ltmp10:
0x12e: {  	_ =	swait.ge @!p1 [sflag:s28], $0x4000;
	(pc) =	sbr.rel @p0 .LBB2_21-.Ltmp10, $4  }
0x12f: {  	s31 =	simm.s32 @!p1 $0xC080;
	[sflag:s28] =	ssyncset.done @!p1 $0x0  }
0x130: {  	[sflag:s28] =	ssyncadd.s32 @!p1 $0xFFFFC000;
	s28 =	simm.s32 @!p1 $0x2  }
0x131: {  	[hbm4b:s5+s29] =	stream.indirect.scatter @!p1 [tilespmem:s30], [sflag:$0x2], $0x80, s31, s29, $0xb8;
	[tilespmem:$0x10100] =	vst v63  }
0x132: {  	_ =	swait.ge @!p1 [sflag:s28], $0x4000  }
0x133: {  	[sflag:s28] =	ssyncset.done @!p1 $0x0  }
0x134: {  	[sflag:s28] =	ssyncadd.s32 @!p1 $0xFFFFC000  }
0x135: {  	[tilespmem:s19], [sflag:$0x1] =	stream.indirect.gather [hbm4b:s2+s17], $0x80, s18, s17, $0xb8;
	[tilespmem:$0x10100] =	vst v63  }
0x136: {  	s23 =	sadd.s32 $0x1, s23;
	_ =	swait.ge [sflag:s20], $0x4000  }
0x137: {  	p0 =	sne.s32 s23, s14;
	[sflag:s20] =	ssyncset.done $0x0  }
.Ltmp11:
0x138: {  	[sflag:s20] =	ssyncadd.s32 $0xFFFFC000;
	(pc) =	sbr.rel @p0 .LBB2_2-.Ltmp11, $4  }
0x139: {  	[hbm4b:s5+s17] =	stream.indirect.scatter [tilespmem:s19], [sflag:$0x2], $0x80, s21, s17, $0xb8;
	[tilespmem:$0x10100] =	vst v63  }
0x13a: {  	_ =	swait.ge [sflag:s22], $0x4000  }
0x13b: {  	[sflag:s22] =	ssyncset.done $0x0  }
0x13c: {  	[sflag:s22] =	ssyncadd.s32 $0xFFFFC000  }
.LBB2_23:
0x13d: {  	_ =	sfence.sel $0x180000  }
0x13e: {  	[bflag:$0x0] =	sbarrier.arrive $0xFFFF  }
0x13f: {  	p0 =	sne.s32 s0, $0x0;
	_ =	strace $0x90000047  }
0x140: {  	s0 =	sadd.s32 @!p0 $0x100000, s1;
	[bflag:$0x2] =	sbarrier.arrive $0xFFFF  }
0x141: {  	[sflag:s0] =	ssyncadd.tile.s32 @!p0 $0x1;
	_ =	shalt  }
.Lfunc_end2:
_tile_overlayer_lowered:
.L_overlay_start_2:
0x142: {  	(tag) =	ssettag $0x2  }
0x143: {  	s0 =	rddreg [dreg:$0x0];
	s2 =	stileid.u32  }
0x144: {  	s1 =	rddreg [dreg:$0x1];
	p0 =	sne.s32 s2, $0x0  }
0x145: {  	s3 =	rddreg [dreg:$0x2];
	[bflag:$0x3] =	sbarrier.arrive $0xFFFF;
	s2 =	simm.s32 @!p0 $0x1C03  }
0x146: {  	[timem:s3], [sflag:s2] =	dma.local @!p0 [hbm:s0], s1  }
0x147: {  	s0 =	simm.s32 @!p0 $0x3  }
0x148: {  	_ =	swait.ge @!p0 [sflag:s0], s1  }
0x149: {  	s1 =	ssub.s32 @!p0 $0x0, s1;
	[sflag:s0] =	ssyncset.done @!p0 $0x0  }
0x14a: {  	[sflag:s0] =	ssyncadd.s32 @!p0 s1  }
0x14b: {  	[bflag:$0x3] =	sbarrier.arrive $0xFFFF  }
0x14c: {  	_ =	shalt  }

// kernel: sparse-core-data-format-call.cloned.1.call-start
scs
called_computation_lowered:
.L_overlay_start_0:
0x0: {  	s2 =	sld [smem:$0x3FD9]  }
0x1: {  	s3 =	sld [smem:$0x3FFE];
	_ =	sdelay $0x1  }
0x2: {  	s1 =	srdreg.scid  }
0x3: {  	s0 =	sand.u32 $0x1, s1  }
0x4: {  	s18 =	sshll.u32 s0, $0xA;
	s2 =	sadd.s32 s3, s2  }
0x5: {  	s2 =	sadd.s32 s2, s18  }
0x6: {  	[smem:$0x3FBB] =	sst s2  }
0x7: {  	_ = 	snop  }
0x8: {  	s2 =	sld [smem:$0x3FD0];
	(tm) =	ssettm $0x1  }
0x9: {  	s19 =	sld [smem:$0x3FFB];
	_ =	sdelay $0x3  }
0xa: {  	_ =	strace s19  }
0xb: {  	s3 =	sld [smem:$0x3FFC];
	_ =	sdelay $0x3  }
0xc: {  	_ =	strace s3  }
0xd: {  	s3 =	sld [smem:$0x3FFD];
	_ =	sdelay $0x3  }
0xe: {  	_ =	strace s3  }
0xf: {  	_ =	strace $0x8FFFFFFF  }
0x10: {  	s20 =	sld [smem:$0x3FDB];
	_ =	sdelay $0x1  }
0x11: {  	s4 =	simm.s32 $_scs_section_size  }
0x12: {  	s5 =	simm.s32 $_size__tile_overlayer_lowered;
	s6 =	simm.s32 $_tile_overlayer_lowered  }
0x13: {  	s23 =	simm.s32 $0x1BFF;
	s22 =	sshll.u32 s6, $0x1;
	s3 =	sadd.s32 s4, s20  }
0x14: {  	s7 =	simm.s32 $0x0;
	s21 =	sshll.u32 s5, $0x1;
	s5 =	sadd.s32 s22, s3  }
0x15: {  	[timem:s7], [sflag:s23] =	dma.local [hbm:s5], s21  }
0x16: {  	_ =	swait.ge [sflag:s23], s21  }
0x17: {  	s4 =	ssub.s32 $0x0, s21;
	[sflag:s23] =	ssyncset.done $0x0  }
0x18: {  	[sflag:s23] =	ssyncadd.s32 s4;
	_ =	sdelay $0x1  }
0x19: {  	s24 =	simm.s32 $0x1B8B  }
0x1a: {  	_ =	swait.ge [sflag:s24], $0x1  }
0x1b: {  	[sflag:s24] =	ssyncset.done $0x0  }
0x1c: {  	s26 =	simm.s32 $0x1B8E;
	s25 =	sld [smem:$0x3FFE];
	[sflag:s24] =	ssyncadd.s32 $0xFFFFFFFF  }
0x1d: {  	s27 =	simm.s32 $execute0_lowered;
	[smem:$0x3FD2] =	sst s26  }
0x1e: {  	s5 =	sshll.u32 s27, $0x1;
	_ =	strace $0x80000049;
	[dreg:$0x1] =	wrdreg $0xFFFFFFFF  }
0x1f: {  	s28 =	simm.s32 $_size_execute0_lowered;
	s3 =	sadd.s32 s3, s5;
	[dreg:$0x0] =	wrdreg $0x0  }
0x20: {  	s5 =	sshll.u32 s28, $0x1;
	[dreg:$0x2] =	wrdreg s3  }
0x21: {  	[dreg:$0x3] =	wrdreg s5  }
0x22: {  	[dreg:$0x4] =	wrdreg $0xC0  }
0x23: {  	_ =	task [dreg:s7], $0x5FFFF  }
0x24: {  	[dreg:$0x1] =	wrdreg $0xFFFFFFFF  }
0x25: {  	[dreg:$0x0] =	wrdreg $0x60  }
0x26: {  	[dreg:$0x2] =	wrdreg s25  }
0x27: {  	[dreg:$0x3] =	wrdreg s2  }
0x28: {  	[dreg:$0x4] =	wrdreg $0x9  }
0x29: {  	_ =	task.clear_ibuf [dreg:s7], $0x5FFFF;
	_ =	strace $0x90000049  }
0x2a: {  	s29 =	simm.s32 $0x9;
	_ =	strace $0x8000004B  }
0x2b: {  	_ =	swait.ge [sflag:s29], $0x1  }
0x2c: {  	[sflag:s29] =	ssyncadd.s32 $0xFFFFFFFF  }
0x2d: {  	_ =	strace $0x9000004B  }
0x2e: {  	_ =	sfence  }
0x2f: {  	s30 =	sld [smem:$0x0];
	_ =	sdelay $0x2  }
0x30: {  	s31 =	sshll.u32 s1, $0xD;
	s1 =	sshrl.u32 s1, $0x2  }
0x31: {  	s3 =	sand.u32 $0x4000, s31;
	s1 =	sadd.s32 s1, s30  }
0x32: {  	s0 =	sor.u32 s3, s0;
	s1 =	sshll.u32 s1, $0x11  }
0x33: {  	s0 =	sor.u32 s1, s0  }
0x34: {  	s0 =	sadd.s32 $0x8F2B, s0  }
0x35: {  	[sflag:s0] =	ssyncadd.remote.s32 $0x1  }
0x36: {  	_ =	sfence.sel $0xFFFF  }
0x37: {  	[dreg:$0x0] =	wrdreg $0xFFFFFFFF;
	(pc) =	sbr.abs _section_cstart, $3  }
0x38: {  	[dreg:$0x1] =	wrdreg $0xFFFFFFFF  }
0x39: {  	_ =	task.clear_ibuf [dreg:s7], $0x2FFFF;
	_ =	strace $0x9FFFFFFF  }
0x3a: {  	(tm) =	ssettm $0x7FFFFFFF  }
0x3b: {  	_ =	shalt  }
tec
execute0_lowered:
.L_overlay_start_1:
0x0: {  	(tag) =	ssettag $0x1  }
0x1: {  	s4 =	rddreg [dreg:$0x0]  }
0x2: {  	s0 =	srdreg.scid;
	s2 =	rddreg [dreg:$0x1]  }
0x3: {  	s1 =	stileid.u32;
	s5 =	simm.s32 $0x1;
	s0 =	sshll.u32 s0, $0x4  }
0x4: {  	s7 =	simm.s32 $0x2;
	s12 =	simm.s32 $0x0;
	s3 =	sand.u32 $0x10, s0  }
.Ltmp0:
0x5: {  	s8 =	simm.s32 $0x7A1400;
	s3 =	sor.u32 s1, s3;
	(pc) =	sbr.rel .LBB1_1-.Ltmp0, $4  }
0x6: {  	s10 =	simm.s32 $0x0;
	s11 =	simm.s32 $0x0;
	s3 =	sshll.u32 s3, $0x7  }
0x7: {  	s0 =	rddreg [dreg:$0x2];
	_ =	strace $0x8000004A;
	s6 =	ssub.s32 $0xF4200, s3  }
0x8: {  	s4 =	sadd.s32 $0xF4F800, s4;
	[sflag:s5] =	ssyncpa.u1 $0x0;
	s6 =	sshrl.u32 s6, $0xC  }
0x9: {  	[sflag:s7] =	ssyncpa.u1 $0x0;
	s9 =	smov.u32 s3;
	s7 =	sadd.s32 $0x2, s6  }
.LBB1_5:
0xa: {  	[tilespmem:s22+$0x0 ss:$0x81] =	vst.msk $0xffff, v3;
	s15 =	sadd.s32 s18, s20  }
0xb: {  	s31 =	sadd.s32 s18, s21;
	[tilespmem:s15+$0x0 ss:$0x81] =	vst.msk $0xffff, v1  }
0xc: {  	[tilespmem:s31+$0x0 ss:$0x81] =	vst.msk $0xffff, v2  }
.LBB1_6:
0xd: {  	s15 =	sshll.u32 s10, $0x3  }
0xe: {  	s15 =	sand.u32 $0xFFFFFC00, s15  }
0xf: {  	s17 =	smulhi.u32 $0x218D6287, s15;
	_ =	sdelay $0x1  }
0x10: {  	s16 =	sand.u32 $0x7F, s10;
	s17 =	sshrl.u32 s17, $0x11  }
0x11: {  	s15 =	sor.u32 s16, s15;
	s18 =	smul.u32 $0xAAB, s17  }
0x12: {  	p0 =	sgt.s32 s10, $0xF4200;
	s19 =	smov.u32 s10;
	s16 =	smulhi.u32 $0x218D6287, s15  }
0x13: {  	s19 =	simm.s32 @!p0 $0xF4200;
	s18 =	sshrl.u32 s18, $0x11  }
0x14: {  	s13 =	sadd.s32 s13, s19;
	s16 =	sshrl.u32 s16, $0x11;
	s18 =	smul.u32 $0x30, s18  }
0x15: {  	s30 =	sadd.s32 $0xFFF0BE00, s13;
	s16 =	smul.u32 $0xF4280, s16  }
0x16: {  	s13 =	ssub.s32 $0xF4280, s13;
	p0 =	sgt.s32 s30, $0x7F;
	s29 =	ssub.s32 s17, s18  }
0x17: {  	s13 =	smul.u32 $0xC0, s13;
	s15 =	ssub.s32 s15, s16;
	s16 =	sand.u32 $0xFFFF, s29  }
0x18: {  	s31 =	sshrl.u32 s15, $0x3;
	s15 =	sand.u32 $0x7, s15;
	s16 =	smul.u32 $0x1E850, s16  }
0x19: {  	s13 =	sshrl.u32 s13, $0x2;
	s17 =	sadd.s32 s2, s31;
	s15 =	sshll.u32 s15, $0x12  }
0x1a: {  	s13 =	simm.s32 @p0 $0x0;
	s15 =	sor.u32 $0x400, s15;
	s16 =	sadd.s32 s16, s17  }
0x1b: {  	[hbm4b:s16+s15] =	stream.strided.scatter [tilespmem:s14], [sflag:$0x2], s13, s8, s15, $0x20;
	[tilespmem:$0x8080] =	vst v63  }
.LBB1_7:
0x1c: {  	p0 =	slt.u32 s11, $0x2  }
0x1d: {  	p1 =	sgt.s32 @!p0 s12, $0xF4200  }
0x1e: {  	s13 =	smov.u32 s12;
	s14 =	sshra.s32 @!p0 s12, $0x1F;
	p1 =	por !p1, p0  }
0x1f: {  	s12 =	sand.u32 @!p0 s14, s12;
	s13 =	simm.s32 @p1 $0xF4200  }
0x20: {  	s12 =	ssub.s32 @!p0 s13, s12  }
0x21: {  	s13 =	ssub.s32 @!p0 $0xF4280, s12  }
0x22: {  	s12 =	sadd.s32 @!p0 $0xFFF0BE00, s12;
	s13 =	smul.u32 @!p0 $0xC0, s13  }
0x23: {  	p1 =	sgt.s32 @!p0 s12, $0x7F  }
0x24: {  	s14 =	sadd.s32 $0x1000, s9;
	p1 =	por !p1, p0;
	s12 =	sshrl.u32 @!p0 s13, $0x2  }
0x25: {  	s12 =	simm.s32 @!p1 $0x0;
	p1 =	sgt.s32 s14, $0xF423F  }
0x26: {  	s14 =	smov.u32 @p1 s3;
	p1 =	sne.s32 s11, s7  }
.Ltmp1:
0x27: {  	_ = 	snop;
	(pc) =	sbr.rel @!p1 .LBB1_8-.Ltmp1, $4  }
0x28: {  	s13 =	simm.s32 @!p0 $0x2  }
0x29: {  	_ =	swait.ge @!p0 [sflag:s13], s12;
	s15 =	ssub.s32 @!p0 $0x0, s12  }
0x2a: {  	s12 =	smov.u32 s10;
	s11 =	sadd.s32 $0x1, s11;
	[sflag:s13] =	ssyncset.done @!p0 $0x0  }
0x2b: {  	s10 =	smov.u32 s9;
	s9 =	smov.u32 s14;
	[sflag:s13] =	ssyncadd.s32 @!p0 s15  }
.LBB1_1:
0x2c: {  	p0 =	sgt.u32 s11, s6  }
0x2d: {  	s14 =	smov.u32 s9;
	p1 =	sgt.s32 @!p0 s9, $0xF41C0  }
0x2e: {  	s13 =	sand.u32 @!p0 $0x1FFFFFF, s9;
	s15 =	sshra.s32 @!p0 s9, $0x1F;
	p1 =	por !p1, p0  }
0x2f: {  	s16 =	smulhi.u32 @!p0 $0x218DEF5, s13;
	s15 =	sand.u32 @!p0 s15, s9;
	s14 =	simm.s32 @p1 $0xF41C0  }
0x30: {  	s14 =	ssub.s32 @!p0 s14, s15  }
0x31: {  	s15 =	sshrl.u32 @!p0 s16, $0xD;
	s14 =	sadd.s32 @!p0 $0xFFF0BE40, s14  }
0x32: {  	s16 =	sxor.u32 @!p0 $0xFFFFFFFF, s11;
	s15 =	smul.u32 @!p0 $0xF4240, s15;
	s17 =	sshll.u32 @!p0 s14, $0x8  }
0x33: {  	s16 =	sshll.u32 @!p0 s16, $0xD;
	p1 =	sgt.s32 @!p0 s14, $0x7F;
	s14 =	ssub.s32 @!p0 $0x8000, s17  }
0x34: {  	s13 =	ssub.s32 @!p0 s13, s15;
	p1 =	por !p1, p0;
	s15 =	sand.u32 @!p0 $0x2000, s16  }
0x35: {  	s16 =	simm.s32 @!p0 $0x40;
	s14 =	sshrl.u32 @!p0 s14, $0x2;
	s13 =	sshll.u32 @!p0 s13, $0x4  }
0x36: {  	s17 =	simm.s32 @!p0 $0x80;
	s14 =	simm.s32 @!p1 $0x0;
	s13 =	sadd.s32 @!p0 s4, s13  }
0x37: {  	[tilespmem:s15], [sflag:$0x1] =	stream.strided.gather @!p0 [hbm4b:s13+s16], s14, s17, s16, $0x38;
	[tilespmem:$0x8080] =	vst v63  }
0x38: {  	p0 =	seq.s32 s11, $0x0  }
0x39: {  	p1 =	sge.u32 @!p0 s11, s7  }
0x3a: {  	p0 =	por p0, p1  }
.Ltmp2:
0x3b: {  	_ = 	snop;
	(pc) =	sbr.rel @p0 .LBB1_7-.Ltmp2, $1  }
0x3c: {  	_ =	sdelay $0x3  }
0x3d: {  	s13 =	ssub.s32 $0x0, s10  }
0x3e: {  	s14 =	sshra.s32 s10, $0x1F;
	p0 =	sgt.s32 s10, $0xF41C0;
	s15 =	smov.u32 s10  }
0x3f: {  	s13 =	sand.u32 s13, s14;
	s15 =	simm.s32 @!p0 $0xF41C0  }
0x40: {  	s14 =	sadd.s32 s13, s15  }
0x41: {  	s17 =	sadd.s32 $0x80, s10;
	s14 =	sadd.s32 $0xFFF0BE40, s14  }
0x42: {  	p1 =	slt.s32 s17, $0xF4240;
	s31 =	sshll.u32 s14, $0x8  }
0x43: {  	s17 =	simm.s32 @!p1 $0xF4240;
	s15 =	ssub.s32 $0x8000, s31  }
0x44: {  	p0 =	sgt.s32 s14, $0x7F;
	s14 =	sshrl.u32 s15, $0x2;
	s15 =	ssub.s32 s17, s10  }
0x45: {  	s14 =	simm.s32 @p0 $0x0;
	p0 =	slt.s32 s15, $0x1  }
.Ltmp3:
0x46: {  	_ = 	snop;
	(pc) =	sbr.rel @p0 .LBB1_6-.Ltmp3, $4  }
0x47: {  	s16 =	sand.u32 $0x1, s11  }
0x48: {  	s18 =	smul.u32 $0x2040, s16;
	_ =	swait.ge [sflag:s5], s14  }
0x49: {  	s14 =	ssub.s32 $0x0, s14;
	[sflag:s5] =	ssyncset.done $0x0  }
0x4a: {  	[sflag:s5] =	ssyncadd.s32 s14;
	s14 =	sor.u32 $0x4000, s18  }
0x4b: {  	s16 =	sshll.u32 s16, $0xD  }
0x4c: {  	v0 =	vmov s16  }
0x4d: {  	s17 =	simm.s32 $0x0  }
0x4e: {  	s18 =	simm.s32 $0x10;
	s17 =	sand.u32 $0x38, s17  }
0x4f: {  	s16 =	simm.s32 $0x0;
	s19 =	smul.u32 $0x204, s17;
	s20 =	sxor.u32 $0x20, s17  }
0x50: {  	p0 =	sne.s32 s15, $0x1;
	s22 =	sand.u32 $0x1FC0, s16;
	s21 =	smul.u32 $0x204, s20  }
.Ltmp4:
0x51: {  	s18 =	sand.u32 $0x38, s18;
	v3 =	vld.idx.msk [tilespmem:v0+s22+$0x20 ss:$0x1], $0xffff;
	(pc) =	sbr.rel @!p0 .LBB1_5-.Ltmp4, $4  }
0x52: {  	s17 =	simm.s32 $0x1;
	s23 =	smul.u32 $0x204, s18;
	v1 =	vld.idx.msk [tilespmem:v0+s22+$0x0 ss:$0x1], $0xffff  }
0x53: {  	s18 =	sand.u32 $0x7F, s16;
	s19 =	sshrl.u32 s19, $0x2;
	s30 =	sshrl.u32 s21, $0x2;
	v2 =	vld.idx.msk [tilespmem:v0+s22+$0x10 ss:$0x1], $0xffff  }
0x54: {  	s31 =	sshrl.u32 s23, $0x2;
	s20 =	sadd.s32 s19, s14;
	s19 =	sadd.s32 s30, s14  }
0x55: {  	s21 =	sadd.s32 s31, s14;
	s22 =	sadd.s32 s18, s19;
	s19 =	simm.s32 $0x808  }
.LBB1_4:
0x56: {  	s23 =	sadd.s32 $0xFFFFF800, s19;
	s24 =	sshrl.u32 s19, $0x7;
	[tilespmem:s22+$0x0 ss:$0x81] =	vst.msk $0xffff, v3;
	s22 =	smov.u32 s17  }
0x57: {  	s17 =	sadd.s32 $0x1, s17;
	s16 =	sadd.s32 $0x40, s16;
	s23 =	sshrl.u32 s23, $0x7  }
0x58: {  	p0 =	sne.s32 s15, s17;
	s25 =	sand.u32 $0x1FC0, s16;
	s23 =	sand.u32 $0x38, s23  }
0x59: {  	s24 =	sand.u32 $0x38, s24;
	s26 =	smul.u32 $0x204, s23;
	s23 =	sxor.u32 $0x20, s23  }
0x5a: {  	s20 =	sadd.s32 s18, s20;
	v3 =	vld.idx.msk [tilespmem:v0+s25+$0x20 ss:$0x1], $0xffff;
	s23 =	smul.u32 $0x204, s23  }
.Ltmp5:
0x5b: {  	s18 =	sadd.s32 s18, s21;
	[tilespmem:s20+$0x0 ss:$0x81] =	vst.msk $0xffff, v1;
	v1 =	vld.idx.msk [tilespmem:v0+s25+$0x0 ss:$0x1], $0xffff;
	(pc) =	sbr.rel @p0 .LBB1_4-.Ltmp5, $4  }
0x5c: {  	s21 =	smul.u32 $0x204, s24;
	s20 =	sshrl.u32 s26, $0x2;
	[tilespmem:s18+$0x0 ss:$0x81] =	vst.msk $0xffff, v2;
	v2 =	vld.idx.msk [tilespmem:v0+s25+$0x10 ss:$0x1], $0xffff  }
0x5d: {  	s20 =	sadd.s32 s20, s14;
	s23 =	sshrl.u32 s23, $0x2  }
0x5e: {  	s21 =	sshrl.u32 s21, $0x2;
	s18 =	sand.u32 $0x7F, s22;
	s22 =	sadd.s32 s23, s14  }
0x5f: {  	s19 =	sadd.s32 $0x8, s19;
	s21 =	sadd.s32 s21, s14;
	s22 =	sadd.s32 s18, s22  }
.Ltmp6:
0x60: {  	_ = 	snop;
	(pc) =	sbr.rel .LBB1_5-.Ltmp6, $1  }
0x61: {  	_ =	sdelay $0x3  }
.LBB1_8:
0x62: {  	_ =	sfence.sel $0x180000  }
0x63: {  	s2 =	simm.s32 $0x1;
	[bflag:$0x0] =	sbarrier.arrive $0xFFFF  }
0x64: {  	s31 =	simm.s32 $0x2;
	[sflag:s2] =	ssyncpa.u1 $0x1  }
0x65: {  	[sflag:s31] =	ssyncpa.u1 $0x1  }
0x66: {  	p0 =	sne.s32 s1, $0x0;
	_ =	strace $0x9000004A  }
0x67: {  	s0 =	sadd.s32 @!p0 $0x100000, s0;
	[bflag:$0x2] =	sbarrier.arrive $0xFFFF  }
0x68: {  	[sflag:s0] =	ssyncadd.tile.s32 @!p0 $0x1;
	_ =	shalt  }
.Lfunc_end1:
_tile_overlayer_lowered:
.L_overlay_start_2:
0x69: {  	(tag) =	ssettag $0x2  }
0x6a: {  	s0 =	rddreg [dreg:$0x0];
	s2 =	stileid.u32  }
0x6b: {  	s1 =	rddreg [dreg:$0x1];
	p0 =	sne.s32 s2, $0x0  }
0x6c: {  	s3 =	rddreg [dreg:$0x2];
	[bflag:$0x3] =	sbarrier.arrive $0xFFFF;
	s2 =	simm.s32 @!p0 $0x1C01  }
0x6d: {  	[timem:s3], [sflag:s2] =	dma.local @!p0 [hbm:s0], s1  }
0x6e: {  	s0 =	simm.s32 @!p0 $0x1  }
0x6f: {  	_ =	swait.ge @!p0 [sflag:s0], s1  }
0x70: {  	s1 =	ssub.s32 @!p0 $0x0, s1;
	[sflag:s0] =	ssyncset.done @!p0 $0x0  }
0x71: {  	[sflag:s0] =	ssyncadd.s32 @!p0 s1  }
0x72: {  	[bflag:$0x3] =	sbarrier.arrive $0xFFFF  }
0x73: {  	_ =	shalt  }

</sc_bundles>
